<compile_context>
chip_gen: v7x
topology: tpu7x:2x2x1
jax: 0.10.2.dev20260603
libtpu: 0.0.44.dev20260713+nightly
codegen_flags: <defaults>
</compile_context>

<pallas_src>
import functools

import jax
import jax.numpy as jnp
from jax import lax
from jax.experimental import pallas as pl
from jax.experimental.pallas import tpu as pltpu
from jax.experimental.pallas import tpu_sc as plsc

_D = 64
_SCALE = 8.0
_NC, _NS = 2, 16
_NW = _NC * _NS
_CHUNK = 128
_K = 4
_SUP = _CHUNK * _K
_TP = _K * _CHUNK + 3


@functools.lru_cache(maxsize=None)
def _make_emb(nh, nb):
    assert nb == _SUP * _NW and nh % 2 == 0
    nit = nb // _CHUNK
    mesh = plsc.VectorSubcoreMesh(core_axis_name="c", subcore_axis_name="s")

    @functools.partial(
        pl.kernel,
        out_type=jax.ShapeDtypeStruct((nh, _D // 8, nit, 8, _CHUNK), jnp.float32),
        mesh=mesh,
        compiler_params=pltpu.CompilerParams(
            use_tc_tiling_on_sc=False, needs_layout_passes=False
        ),
        scratch_types=[
            pltpu.VMEM((2, _K, _CHUNK), jnp.int32),
            pltpu.VMEM((2 * _SUP, _D), jnp.float32),
            pltpu.VMEM((_D // 8, 1, 8, _TP), jnp.float32),
            pltpu.SemaphoreType.DMA,
            pltpu.SemaphoreType.DMA,
            pltpu.SemaphoreType.DMA,
            pltpu.SemaphoreType.DMA,
            pltpu.SemaphoreType.DMA,
        ],
    )
    def emb(idx_hbm, table_hbm, out_hbm, idx_v, rows_v, t_v, g0, g1, so, i0, i1):
        gsem = (g0, g1)
        isem = (i0, i1)
        wid = lax.axis_index("s") * _NC + lax.axis_index("c")
        it0 = wid * _K

        def idx_fetch(h, b, sync=False):
            src, dst = idx_hbm.at[h, pl.ds(it0, _K)], idx_v.at[b]
            if sync:
                pltpu.sync_copy(src, dst)
            else:
                pltpu.async_copy(src, dst, isem[b])

        def idx_wait(b):
            pltpu.make_async_copy(
                idx_hbm.at[0, pl.ds(0, _K)], idx_v.at[b], isem[b]
            ).wait()

        def fire(b):
            for j in range(_K):
                pltpu.async_copy(
                    table_hbm.at[idx_v.at[b, j]],
                    rows_v.at[pl.ds(b * _SUP + j * _CHUNK, _CHUNK)],
                    gsem[b],
                )

        def drain(b):
            pltpu.make_async_copy(
                table_hbm.at[pl.ds(0, _SUP)],
                rows_v.at[pl.ds(b * _SUP, _SUP)],
                gsem[b],
            ).wait()

        def drain_stores():
            for jt in range(_K):
                pltpu.make_async_copy(
                    out_hbm.at[0, :, pl.ds(0, 1)],
                    t_v.at[:, :, :, pl.ds(0, _CHUNK)],
                    so,
                ).wait()

        def scale_store(h, boff):
            kvs = [lax.iota(jnp.int32, 16) + c * 16 for c in range(_D // 16)]
            ktvs = [kv >> 3 for kv in kvs]
            krvs = [kv & 7 for kv in kvs]
            zv = jnp.zeros((16,), jnp.int32)

            @plsc.parallel_loop(0, _SUP, step=1, unroll=8)
            def _transpose(r):
                rv = jnp.full((16,), r, jnp.int32)
                for c in range(_D // 16):
                    v = rows_v[boff + r, pl.ds(c * 16, 16)] * _SCALE
                    plsc.store_scatter(t_v, [ktvs[c], zv, krvs[c], rv], v)

            for jt in range(_K):
                pltpu.async_copy(
                    t_v.at[:, :, :, pl.ds(jt * _CHUNK, _CHUNK)],
                    out_hbm.at[h, :, pl.ds(it0 + jt, 1)],
                    so,
                )

        idx_fetch(0, 0, sync=True)
        idx_fetch(1, 1)
        fire(0)

        def body(h, carry):
            par = lax.bitwise_and(h, 1)
            hn2 = jnp.minimum(h + 2, nh - 1)

            @pl.when(par == 0)
            def _():
                idx_wait(1)
                fire(1)
                drain(0)
                idx_fetch(hn2, 0)

            @pl.when(par == 1)
            def _():
                idx_wait(0)
                fire(0)
                drain(1)
                idx_fetch(hn2, 1)

            @pl.when(h > 0)
            def _():
                drain_stores()

            scale_store(h, par * _SUP)
            return carry

        lax.fori_loop(0, nh, body, 0)
        drain(0)
        idx_wait(1)
        drain_stores()

    return emb


def kernel(x, table):
    nb, nh = x.shape
    nit = nb // _CHUNK
    xt = x.T.reshape(nh, nit, _CHUNK).astype(jnp.int32)
    out5 = _make_emb(nh, nb)(xt, table)
    return jnp.transpose(out5, (2, 4, 0, 1, 3)).reshape(nb, nh, _D)

# --- scband reference (transcript-rebuilt; emitter-appended) ---
"""Pipeline reference for scband-embedding-71459665871448 (READ-ONLY COPY).

The authoritative reference and input builder live on the scoring server;
editing this copy changes nothing except your own understanding.
"""

import jax, jax.numpy as jnp
import numpy as np
import math

VOCAB = 1000000
EMBED_DIM = 64
BATCH = 16384
HIST = 200

def setup_inputs(seed: int = 0) -> dict:
    key = jax.random.key(seed)
    k1, k2 = jax.random.split(key)
    x = jax.random.randint(k1, (BATCH, HIST), 0, VOCAB, dtype=jnp.int64 if jax.config.jax_enable_x64 else jnp.int32)
    table = jax.random.normal(k2, (VOCAB, EMBED_DIM), dtype=jnp.float32)
    return {"x": x, "table": table}

def reference(x, table):
    embedded = jnp.take(table, x, axis=0)
    return embedded * math.sqrt(EMBED_DIM)

if __name__ == "__main__":
    import jax
    _d = setup_inputs()
    print(jax.jit(kernel)(*tuple(_d.values())))

</pallas_src>

<mosaic_0001>
#map = affine_map<(d0, d1) -> (0, 0, 0)>
#map1 = affine_map<(d0, d1) -> (0, 0)>
#map2 = affine_map<(d0, d1) -> (0, 0, 0, 0, 0)>
module attributes {stable_mosaic.version = 14 : i64} {
  func.func @emb(%arg0: i32, %arg1: i32, %arg2: memref<200x128x128xi32, #tpu.memory_space<hbm>>, %arg3: memref<1000000x64xf32, #tpu.memory_space<hbm>>, %arg4: memref<200x8x128x8x128xf32, #tpu.memory_space<hbm>>, %arg5: memref<2x4x128xi32, #tpu.memory_space<vmem>>, %arg6: memref<1024x64xf32, #tpu.memory_space<vmem>>, %arg7: memref<8x1x8x515xf32, #tpu.memory_space<vmem>>, %arg8: memref<!tpu.dma_semaphore, #tpu.memory_space<semaphore_mem>>, %arg9: memref<!tpu.dma_semaphore, #tpu.memory_space<semaphore_mem>>, %arg10: memref<!tpu.dma_semaphore, #tpu.memory_space<semaphore_mem>>, %arg11: memref<!tpu.dma_semaphore, #tpu.memory_space<semaphore_mem>>, %arg12: memref<!tpu.dma_semaphore, #tpu.memory_space<semaphore_mem>>) attributes {dimension_semantics = [#tpu.dimension_semantics<core_parallel>, #tpu.dimension_semantics<subcore_parallel>], iteration_bounds = array<i64: 2, 16>, scalar_prefetch = 0 : i64, scratch_operands = 8 : i64, tpu.core_type = #tpu.core_type<sc_vector_subcore>, window_params = [{transform_indices = #map}, {transform_indices = #map1}, {transform_indices = #map2}]} {
    %mul3A = arith.constant 2 : i32
    %mul3A_0 = arith.muli %arg1, %mul3A : i32
    %add3A = arith.addi %mul3A_0, %arg0 : i32
    %mul3A_1 = arith.constant 4 : i32
    %mul3A_2 = arith.muli %add3A, %mul3A_1 : i32
    %run_scoped3A = arith.constant 0 : i32
    %run_scoped3A_3 = arith.constant 0 : i32
    "tpu.region"() ({
      %run_scoped3A_189 = tpu.sem_alloc : memref<!tpu.dma_semaphore, #tpu.memory_space<semaphore_mem>>
      %dma_start3A_190 = arith.constant 0 : i32
      %dma_start3A_191 = arith.constant 0 : i32
      %dma_start3A_192 = tpu.memref_slice %arg5[%run_scoped3A_3, %dma_start3A_190, %dma_start3A_191] : memref<2x4x128xi32, #tpu.memory_space<vmem>> -> memref<1x4x128xi32, #tpu.memory_space<vmem>>
      %dma_start3A_193 = tpu.memref_squeeze %dma_start3A_192 : memref<1x4x128xi32, #tpu.memory_space<vmem>> -> memref<4x128xi32, #tpu.memory_space<vmem>>
      %dma_start3A_194 = arith.constant 0 : i32
      %dma_start3A_195 = tpu.memref_slice %arg2[%run_scoped3A, %mul3A_2, %dma_start3A_194] : memref<200x128x128xi32, #tpu.memory_space<hbm>> -> memref<1x4x128xi32, #tpu.memory_space<hbm>>
      %dma_start3A_196 = tpu.memref_squeeze %dma_start3A_195 : memref<1x4x128xi32, #tpu.memory_space<hbm>> -> memref<4x128xi32, #tpu.memory_space<hbm>>
      %dma_start3A_197 = arith.constant 0 : i32
      %dma_start3A_198 = arith.constant 0 : i32
      %dma_start3A_199 = tpu.memref_slice %arg5[%run_scoped3A_3, %dma_start3A_197, %dma_start3A_198] : memref<2x4x128xi32, #tpu.memory_space<vmem>> -> memref<1x4x128xi32, #tpu.memory_space<vmem>>
      %dma_start3A_200 = tpu.memref_squeeze %dma_start3A_199 : memref<1x4x128xi32, #tpu.memory_space<vmem>> -> memref<4x128xi32, #tpu.memory_space<vmem>>
      %dma_start3A_201 = arith.constant 0 : i32
      %dma_start3A_202 = tpu.memref_slice %arg2[%run_scoped3A, %mul3A_2, %dma_start3A_201] : memref<200x128x128xi32, #tpu.memory_space<hbm>> -> memref<1x4x128xi32, #tpu.memory_space<hbm>>
      %dma_start3A_203 = tpu.memref_squeeze %dma_start3A_202 : memref<1x4x128xi32, #tpu.memory_space<hbm>> -> memref<4x128xi32, #tpu.memory_space<hbm>>
      tpu.enqueue_dma source(%dma_start3A_203 : memref<4x128xi32, #tpu.memory_space<hbm>>) target(%dma_start3A_200 : memref<4x128xi32, #tpu.memory_space<vmem>>) target_semaphore(%run_scoped3A_189 : memref<!tpu.dma_semaphore, #tpu.memory_space<semaphore_mem>>)
      %dma_wait3A_204 = arith.constant 0 : i32
      %dma_wait3A_205 = arith.constant 0 : i32
      %dma_wait3A_206 = tpu.memref_slice %arg5[%run_scoped3A_3, %dma_wait3A_204, %dma_wait3A_205] : memref<2x4x128xi32, #tpu.memory_space<vmem>> -> memref<1x4x128xi32, #tpu.memory_space<vmem>>
      %dma_wait3A_207 = tpu.memref_squeeze %dma_wait3A_206 : memref<1x4x128xi32, #tpu.memory_space<vmem>> -> memref<4x128xi32, #tpu.memory_space<vmem>>
      %dma_wait3A_208 = arith.constant 0 : i32
      %dma_wait3A_209 = tpu.memref_slice %arg2[%run_scoped3A, %mul3A_2, %dma_wait3A_208] : memref<200x128x128xi32, #tpu.memory_space<hbm>> -> memref<1x4x128xi32, #tpu.memory_space<hbm>>
      %dma_wait3A_210 = tpu.memref_squeeze %dma_wait3A_209 : memref<1x4x128xi32, #tpu.memory_space<hbm>> -> memref<4x128xi32, #tpu.memory_space<hbm>>
      %dma_wait3A_211 = arith.constant 0 : i32
      %dma_wait3A_212 = arith.constant 0 : i32
      %dma_wait3A_213 = tpu.memref_slice %arg5[%run_scoped3A_3, %dma_wait3A_211, %dma_wait3A_212] : memref<2x4x128xi32, #tpu.memory_space<vmem>> -> memref<1x4x128xi32, #tpu.memory_space<vmem>>
      %dma_wait3A_214 = tpu.memref_squeeze %dma_wait3A_213 : memref<1x4x128xi32, #tpu.memory_space<vmem>> -> memref<4x128xi32, #tpu.memory_space<vmem>>
      %dma_wait3A_215 = arith.constant 0 : i32
      %dma_wait3A_216 = tpu.memref_slice %arg2[%run_scoped3A, %mul3A_2, %dma_wait3A_215] : memref<200x128x128xi32, #tpu.memory_space<hbm>> -> memref<1x4x128xi32, #tpu.memory_space<hbm>>
      %dma_wait3A_217 = tpu.memref_squeeze %dma_wait3A_216 : memref<1x4x128xi32, #tpu.memory_space<hbm>> -> memref<4x128xi32, #tpu.memory_space<hbm>>
      tpu.wait_dma2 semaphore(%run_scoped3A_189 : memref<!tpu.dma_semaphore, #tpu.memory_space<semaphore_mem>>) src(%dma_wait3A_217 : memref<4x128xi32, #tpu.memory_space<hbm>>) dst(%dma_wait3A_214 : memref<4x128xi32, #tpu.memory_space<vmem>>)
      tpu.yield
    }) : () -> ()
    %dma_start3A = arith.constant 1 : i32
    %dma_start3A_4 = arith.constant 1 : i32
    %dma_start3A_5 = arith.constant 0 : i32
    %dma_start3A_6 = arith.constant 0 : i32
    %dma_start3A_7 = tpu.memref_slice %arg5[%dma_start3A_4, %dma_start3A_5, %dma_start3A_6] : memref<2x4x128xi32, #tpu.memory_space<vmem>> -> memref<1x4x128xi32, #tpu.memory_space<vmem>>
    %dma_start3A_8 = tpu.memref_squeeze %dma_start3A_7 : memref<1x4x128xi32, #tpu.memory_space<vmem>> -> memref<4x128xi32, #tpu.memory_space<vmem>>
    %dma_start3A_9 = arith.constant 0 : i32
    %dma_start3A_10 = tpu.memref_slice %arg2[%dma_start3A, %mul3A_2, %dma_start3A_9] : memref<200x128x128xi32, #tpu.memory_space<hbm>> -> memref<1x4x128xi32, #tpu.memory_space<hbm>>
    %dma_start3A_11 = tpu.memref_squeeze %dma_start3A_10 : memref<1x4x128xi32, #tpu.memory_space<hbm>> -> memref<4x128xi32, #tpu.memory_space<hbm>>
    %dma_start3A_12 = arith.constant 0 : i32
    %dma_start3A_13 = arith.constant 0 : i32
    %dma_start3A_14 = tpu.memref_slice %arg5[%dma_start3A_4, %dma_start3A_12, %dma_start3A_13] : memref<2x4x128xi32, #tpu.memory_space<vmem>> -> memref<1x4x128xi32, #tpu.memory_space<vmem>>
    %dma_start3A_15 = tpu.memref_squeeze %dma_start3A_14 : memref<1x4x128xi32, #tpu.memory_space<vmem>> -> memref<4x128xi32, #tpu.memory_space<vmem>>
    %dma_start3A_16 = arith.constant 0 : i32
    %dma_start3A_17 = tpu.memref_slice %arg2[%dma_start3A, %mul3A_2, %dma_start3A_16] : memref<200x128x128xi32, #tpu.memory_space<hbm>> -> memref<1x4x128xi32, #tpu.memory_space<hbm>>
    %dma_start3A_18 = tpu.memref_squeeze %dma_start3A_17 : memref<1x4x128xi32, #tpu.memory_space<hbm>> -> memref<4x128xi32, #tpu.memory_space<hbm>>
    tpu.enqueue_dma source(%dma_start3A_18 : memref<4x128xi32, #tpu.memory_space<hbm>>) target(%dma_start3A_15 : memref<4x128xi32, #tpu.memory_space<vmem>>) target_semaphore(%arg12 : memref<!tpu.dma_semaphore, #tpu.memory_space<semaphore_mem>>)
    %dma_start3A_19 = arith.constant 0 : i32
    %dma_start3A_20 = arith.constant 0 : i32
    %dma_start3A_21 = arith.constant 0 : i32
    %dma_start3A_22 = arith.constant 0 : i32
    %dma_start3A_23 = tpu.memref_slice %arg6[%dma_start3A_21, %dma_start3A_22] : memref<1024x64xf32, #tpu.memory_space<vmem>> -> memref<128x64xf32, #tpu.memory_space<vmem>>
    %dma_start3A_24 = arith.constant 0 : i32
    %dma_start3A_25 = tpu.memref_slice %arg5[%dma_start3A_19, %dma_start3A_20, %dma_start3A_24] : memref<2x4x128xi32, #tpu.memory_space<vmem>> -> memref<1x1x128xi32, #tpu.memory_space<vmem>>
    %dma_start3A_26 = tpu.memref_squeeze %dma_start3A_25 : memref<1x1x128xi32, #tpu.memory_space<vmem>> -> memref<128xi32, #tpu.memory_space<vmem>>
    %dma_start3A_27 = arith.constant 0 : i32
    %dma_start3A_28 = arith.constant 0 : i32
    %dma_start3A_29 = tpu.memref_slice %arg3[%dma_start3A_27, %dma_start3A_28] : memref<1000000x64xf32, #tpu.memory_space<hbm>> -> memref<1000000x64xf32, #tpu.memory_space<hbm>>
    tpu.enqueue_indirect_dma source(%dma_start3A_29 : memref<1000000x64xf32, #tpu.memory_space<hbm>>) target(%dma_start3A_23 : memref<128x64xf32, #tpu.memory_space<vmem>>) offsets(%dma_start3A_26 : memref<128xi32, #tpu.memory_space<vmem>>) semaphore(%arg8 : memref<!tpu.dma_semaphore, #tpu.memory_space<semaphore_mem>>)
    %dma_start3A_30 = arith.constant 0 : i32
    %dma_start3A_31 = arith.constant 1 : i32
    %dma_start3A_32 = arith.constant 128 : i32
    %dma_start3A_33 = arith.constant 0 : i32
    %dma_start3A_34 = tpu.memref_slice %arg6[%dma_start3A_32, %dma_start3A_33] : memref<1024x64xf32, #tpu.memory_space<vmem>> -> memref<128x64xf32, #tpu.memory_space<vmem>>
    %dma_start3A_35 = arith.constant 0 : i32
    %dma_start3A_36 = tpu.memref_slice %arg5[%dma_start3A_30, %dma_start3A_31, %dma_start3A_35] : memref<2x4x128xi32, #tpu.memory_space<vmem>> -> memref<1x1x128xi32, #tpu.memory_space<vmem>>
    %dma_start3A_37 = tpu.memref_squeeze %dma_start3A_36 : memref<1x1x128xi32, #tpu.memory_space<vmem>> -> memref<128xi32, #tpu.memory_space<vmem>>
    %dma_start3A_38 = arith.constant 0 : i32
    %dma_start3A_39 = arith.constant 0 : i32
    %dma_start3A_40 = tpu.memref_slice %arg3[%dma_start3A_38, %dma_start3A_39] : memref<1000000x64xf32, #tpu.memory_space<hbm>> -> memref<1000000x64xf32, #tpu.memory_space<hbm>>
    tpu.enqueue_indirect_dma source(%dma_start3A_40 : memref<1000000x64xf32, #tpu.memory_space<hbm>>) target(%dma_start3A_34 : memref<128x64xf32, #tpu.memory_space<vmem>>) offsets(%dma_start3A_37 : memref<128xi32, #tpu.memory_space<vmem>>) semaphore(%arg8 : memref<!tpu.dma_semaphore, #tpu.memory_space<semaphore_mem>>)
    %dma_start3A_41 = arith.constant 0 : i32
    %dma_start3A_42 = arith.constant 2 : i32
    %dma_start3A_43 = arith.constant 256 : i32
    %dma_start3A_44 = arith.constant 0 : i32
    %dma_start3A_45 = tpu.memref_slice %arg6[%dma_start3A_43, %dma_start3A_44] : memref<1024x64xf32, #tpu.memory_space<vmem>> -> memref<128x64xf32, #tpu.memory_space<vmem>>
    %dma_start3A_46 = arith.constant 0 : i32
    %dma_start3A_47 = tpu.memref_slice %arg5[%dma_start3A_41, %dma_start3A_42, %dma_start3A_46] : memref<2x4x128xi32, #tpu.memory_space<vmem>> -> memref<1x1x128xi32, #tpu.memory_space<vmem>>
    %dma_start3A_48 = tpu.memref_squeeze %dma_start3A_47 : memref<1x1x128xi32, #tpu.memory_space<vmem>> -> memref<128xi32, #tpu.memory_space<vmem>>
    %dma_start3A_49 = arith.constant 0 : i32
    %dma_start3A_50 = arith.constant 0 : i32
    %dma_start3A_51 = tpu.memref_slice %arg3[%dma_start3A_49, %dma_start3A_50] : memref<1000000x64xf32, #tpu.memory_space<hbm>> -> memref<1000000x64xf32, #tpu.memory_space<hbm>>
    tpu.enqueue_indirect_dma source(%dma_start3A_51 : memref<1000000x64xf32, #tpu.memory_space<hbm>>) target(%dma_start3A_45 : memref<128x64xf32, #tpu.memory_space<vmem>>) offsets(%dma_start3A_48 : memref<128xi32, #tpu.memory_space<vmem>>) semaphore(%arg8 : memref<!tpu.dma_semaphore, #tpu.memory_space<semaphore_mem>>)
    %dma_start3A_52 = arith.constant 0 : i32
    %dma_start3A_53 = arith.constant 3 : i32
    %dma_start3A_54 = arith.constant 384 : i32
    %dma_start3A_55 = arith.constant 0 : i32
    %dma_start3A_56 = tpu.memref_slice %arg6[%dma_start3A_54, %dma_start3A_55] : memref<1024x64xf32, #tpu.memory_space<vmem>> -> memref<128x64xf32, #tpu.memory_space<vmem>>
    %dma_start3A_57 = arith.constant 0 : i32
    %dma_start3A_58 = tpu.memref_slice %arg5[%dma_start3A_52, %dma_start3A_53, %dma_start3A_57] : memref<2x4x128xi32, #tpu.memory_space<vmem>> -> memref<1x1x128xi32, #tpu.memory_space<vmem>>
    %dma_start3A_59 = tpu.memref_squeeze %dma_start3A_58 : memref<1x1x128xi32, #tpu.memory_space<vmem>> -> memref<128xi32, #tpu.memory_space<vmem>>
    %dma_start3A_60 = arith.constant 0 : i32
    %dma_start3A_61 = arith.constant 0 : i32
    %dma_start3A_62 = tpu.memref_slice %arg3[%dma_start3A_60, %dma_start3A_61] : memref<1000000x64xf32, #tpu.memory_space<hbm>> -> memref<1000000x64xf32, #tpu.memory_space<hbm>>
    tpu.enqueue_indirect_dma source(%dma_start3A_62 : memref<1000000x64xf32, #tpu.memory_space<hbm>>) target(%dma_start3A_56 : memref<128x64xf32, #tpu.memory_space<vmem>>) offsets(%dma_start3A_59 : memref<128xi32, #tpu.memory_space<vmem>>) semaphore(%arg8 : memref<!tpu.dma_semaphore, #tpu.memory_space<semaphore_mem>>)
    %scan3A = arith.constant 0 : i32
    %scan3A_63 = arith.constant 0 : i32
    %scan3A_64 = arith.constant 200 : i32
    %scan3A_65 = arith.addi %scan3A_63, %scan3A_64 : i32
    %scan3A_66 = arith.constant 1 : i32
    scf.for %scan3A_189 = %scan3A_63 to %scan3A_65 step %scan3A_66  : i32 {
      %and3A = arith.constant 1 : i32
      %and3A_190 = arith.andi %scan3A_189, %and3A : i32
      %add3A_191 = arith.constant 2 : i32
      %add3A_192 = arith.addi %scan3A_189, %add3A_191 : i32
      %min3A = arith.constant 199 : i32
      %min3A_193 = arith.minsi %add3A_192, %min3A : i32
      %eq3A = arith.constant 0 : i32
      %eq3A_194 = arith.cmpi eq, %and3A_190, %eq3A : i32
      %convert_element_type3A = arith.extui %eq3A_194 : i1 to i32
      %cond3A = arith.constant 0 : i32
      %cond3A_195 = arith.cmpi ne, %convert_element_type3A, %cond3A : i32
      scf.if %cond3A_195 {
        %dma_wait3A_336 = arith.constant 0 : i32
        %dma_wait3A_337 = arith.constant 1 : i32
        %dma_wait3A_338 = arith.constant 0 : i32
        %dma_wait3A_339 = arith.constant 0 : i32
        %dma_wait3A_340 = tpu.memref_slice %arg5[%dma_wait3A_337, %dma_wait3A_338, %dma_wait3A_339] : memref<2x4x128xi32, #tpu.memory_space<vmem>> -> memref<1x4x128xi32, #tpu.memory_space<vmem>>
        %dma_wait3A_341 = tpu.memref_squeeze %dma_wait3A_340 : memref<1x4x128xi32, #tpu.memory_space<vmem>> -> memref<4x128xi32, #tpu.memory_space<vmem>>
        %dma_wait3A_342 = arith.constant 0 : i32
        %dma_wait3A_343 = arith.constant 0 : i32
        %dma_wait3A_344 = tpu.memref_slice %arg2[%dma_wait3A_336, %dma_wait3A_342, %dma_wait3A_343] : memref<200x128x128xi32, #tpu.memory_space<hbm>> -> memref<1x4x128xi32, #tpu.memory_space<hbm>>
        %dma_wait3A_345 = tpu.memref_squeeze %dma_wait3A_344 : memref<1x4x128xi32, #tpu.memory_space<hbm>> -> memref<4x128xi32, #tpu.memory_space<hbm>>
        %dma_wait3A_346 = arith.constant 0 : i32
        %dma_wait3A_347 = arith.constant 0 : i32
        %dma_wait3A_348 = tpu.memref_slice %arg5[%dma_wait3A_337, %dma_wait3A_346, %dma_wait3A_347] : memref<2x4x128xi32, #tpu.memory_space<vmem>> -> memref<1x4x128xi32, #tpu.memory_space<vmem>>
        %dma_wait3A_349 = tpu.memref_squeeze %dma_wait3A_348 : memref<1x4x128xi32, #tpu.memory_space<vmem>> -> memref<4x128xi32, #tpu.memory_space<vmem>>
        %dma_wait3A_350 = arith.constant 0 : i32
        %dma_wait3A_351 = arith.constant 0 : i32
        %dma_wait3A_352 = tpu.memref_slice %arg2[%dma_wait3A_336, %dma_wait3A_350, %dma_wait3A_351] : memref<200x128x128xi32, #tpu.memory_space<hbm>> -> memref<1x4x128xi32, #tpu.memory_space<hbm>>
        %dma_wait3A_353 = tpu.memref_squeeze %dma_wait3A_352 : memref<1x4x128xi32, #tpu.memory_space<hbm>> -> memref<4x128xi32, #tpu.memory_space<hbm>>
        tpu.wait_dma2 semaphore(%arg12 : memref<!tpu.dma_semaphore, #tpu.memory_space<semaphore_mem>>) src(%dma_wait3A_353 : memref<4x128xi32, #tpu.memory_space<hbm>>) dst(%dma_wait3A_349 : memref<4x128xi32, #tpu.memory_space<vmem>>)
        %dma_start3A_354 = arith.constant 1 : i32
        %dma_start3A_355 = arith.constant 0 : i32
        %dma_start3A_356 = arith.constant 512 : i32
        %dma_start3A_357 = arith.constant 0 : i32
        %dma_start3A_358 = tpu.memref_slice %arg6[%dma_start3A_356, %dma_start3A_357] : memref<1024x64xf32, #tpu.memory_space<vmem>> -> memref<128x64xf32, #tpu.memory_space<vmem>>
        %dma_start3A_359 = arith.constant 0 : i32
        %dma_start3A_360 = tpu.memref_slice %arg5[%dma_start3A_354, %dma_start3A_355, %dma_start3A_359] : memref<2x4x128xi32, #tpu.memory_space<vmem>> -> memref<1x1x128xi32, #tpu.memory_space<vmem>>
        %dma_start3A_361 = tpu.memref_squeeze %dma_start3A_360 : memref<1x1x128xi32, #tpu.memory_space<vmem>> -> memref<128xi32, #tpu.memory_space<vmem>>
        %dma_start3A_362 = arith.constant 0 : i32
        %dma_start3A_363 = arith.constant 0 : i32
        %dma_start3A_364 = tpu.memref_slice %arg3[%dma_start3A_362, %dma_start3A_363] : memref<1000000x64xf32, #tpu.memory_space<hbm>> -> memref<1000000x64xf32, #tpu.memory_space<hbm>>
        tpu.enqueue_indirect_dma source(%dma_start3A_364 : memref<1000000x64xf32, #tpu.memory_space<hbm>>) target(%dma_start3A_358 : memref<128x64xf32, #tpu.memory_space<vmem>>) offsets(%dma_start3A_361 : memref<128xi32, #tpu.memory_space<vmem>>) semaphore(%arg9 : memref<!tpu.dma_semaphore, #tpu.memory_space<semaphore_mem>>)
        %dma_start3A_365 = arith.constant 1 : i32
        %dma_start3A_366 = arith.constant 1 : i32
        %dma_start3A_367 = arith.constant 640 : i32
        %dma_start3A_368 = arith.constant 0 : i32
        %dma_start3A_369 = tpu.memref_slice %arg6[%dma_start3A_367, %dma_start3A_368] : memref<1024x64xf32, #tpu.memory_space<vmem>> -> memref<128x64xf32, #tpu.memory_space<vmem>>
        %dma_start3A_370 = arith.constant 0 : i32
        %dma_start3A_371 = tpu.memref_slice %arg5[%dma_start3A_365, %dma_start3A_366, %dma_start3A_370] : memref<2x4x128xi32, #tpu.memory_space<vmem>> -> memref<1x1x128xi32, #tpu.memory_space<vmem>>
        %dma_start3A_372 = tpu.memref_squeeze %dma_start3A_371 : memref<1x1x128xi32, #tpu.memory_space<vmem>> -> memref<128xi32, #tpu.memory_space<vmem>>
        %dma_start3A_373 = arith.constant 0 : i32
        %dma_start3A_374 = arith.constant 0 : i32
        %dma_start3A_375 = tpu.memref_slice %arg3[%dma_start3A_373, %dma_start3A_374] : memref<1000000x64xf32, #tpu.memory_space<hbm>> -> memref<1000000x64xf32, #tpu.memory_space<hbm>>
        tpu.enqueue_indirect_dma source(%dma_start3A_375 : memref<1000000x64xf32, #tpu.memory_space<hbm>>) target(%dma_start3A_369 : memref<128x64xf32, #tpu.memory_space<vmem>>) offsets(%dma_start3A_372 : memref<128xi32, #tpu.memory_space<vmem>>) semaphore(%arg9 : memref<!tpu.dma_semaphore, #tpu.memory_space<semaphore_mem>>)
        %dma_start3A_376 = arith.constant 1 : i32
        %dma_start3A_377 = arith.constant 2 : i32
        %dma_start3A_378 = arith.constant 768 : i32
        %dma_start3A_379 = arith.constant 0 : i32
        %dma_start3A_380 = tpu.memref_slice %arg6[%dma_start3A_378, %dma_start3A_379] : memref<1024x64xf32, #tpu.memory_space<vmem>> -> memref<128x64xf32, #tpu.memory_space<vmem>>
        %dma_start3A_381 = arith.constant 0 : i32
        %dma_start3A_382 = tpu.memref_slice %arg5[%dma_start3A_376, %dma_start3A_377, %dma_start3A_381] : memref<2x4x128xi32, #tpu.memory_space<vmem>> -> memref<1x1x128xi32, #tpu.memory_space<vmem>>
        %dma_start3A_383 = tpu.memref_squeeze %dma_start3A_382 : memref<1x1x128xi32, #tpu.memory_space<vmem>> -> memref<128xi32, #tpu.memory_space<vmem>>
        %dma_start3A_384 = arith.constant 0 : i32
        %dma_start3A_385 = arith.constant 0 : i32
        %dma_start3A_386 = tpu.memref_slice %arg3[%dma_start3A_384, %dma_start3A_385] : memref<1000000x64xf32, #tpu.memory_space<hbm>> -> memref<1000000x64xf32, #tpu.memory_space<hbm>>
        tpu.enqueue_indirect_dma source(%dma_start3A_386 : memref<1000000x64xf32, #tpu.memory_space<hbm>>) target(%dma_start3A_380 : memref<128x64xf32, #tpu.memory_space<vmem>>) offsets(%dma_start3A_383 : memref<128xi32, #tpu.memory_space<vmem>>) semaphore(%arg9 : memref<!tpu.dma_semaphore, #tpu.memory_space<semaphore_mem>>)
        %dma_start3A_387 = arith.constant 1 : i32
        %dma_start3A_388 = arith.constant 3 : i32
        %dma_start3A_389 = arith.constant 896 : i32
        %dma_start3A_390 = arith.constant 0 : i32
        %dma_start3A_391 = tpu.memref_slice %arg6[%dma_start3A_389, %dma_start3A_390] : memref<1024x64xf32, #tpu.memory_space<vmem>> -> memref<128x64xf32, #tpu.memory_space<vmem>>
        %dma_start3A_392 = arith.constant 0 : i32
        %dma_start3A_393 = tpu.memref_slice %arg5[%dma_start3A_387, %dma_start3A_388, %dma_start3A_392] : memref<2x4x128xi32, #tpu.memory_space<vmem>> -> memref<1x1x128xi32, #tpu.memory_space<vmem>>
        %dma_start3A_394 = tpu.memref_squeeze %dma_start3A_393 : memref<1x1x128xi32, #tpu.memory_space<vmem>> -> memref<128xi32, #tpu.memory_space<vmem>>
        %dma_start3A_395 = arith.constant 0 : i32
        %dma_start3A_396 = arith.constant 0 : i32
        %dma_start3A_397 = tpu.memref_slice %arg3[%dma_start3A_395, %dma_start3A_396] : memref<1000000x64xf32, #tpu.memory_space<hbm>> -> memref<1000000x64xf32, #tpu.memory_space<hbm>>
        tpu.enqueue_indirect_dma source(%dma_start3A_397 : memref<1000000x64xf32, #tpu.memory_space<hbm>>) target(%dma_start3A_391 : memref<128x64xf32, #tpu.memory_space<vmem>>) offsets(%dma_start3A_394 : memref<128xi32, #tpu.memory_space<vmem>>) semaphore(%arg9 : memref<!tpu.dma_semaphore, #tpu.memory_space<semaphore_mem>>)
        %dma_wait3A_398 = arith.constant 0 : i32
        %dma_wait3A_399 = arith.constant 0 : i32
        %dma_wait3A_400 = tpu.memref_slice %arg6[%dma_wait3A_398, %dma_wait3A_399] : memref<1024x64xf32, #tpu.memory_space<vmem>> -> memref<512x64xf32, #tpu.memory_space<vmem>>
        %dma_wait3A_401 = arith.constant 0 : i32
        %dma_wait3A_402 = arith.constant 0 : i32
        %dma_wait3A_403 = tpu.memref_slice %arg3[%dma_wait3A_401, %dma_wait3A_402] : memref<1000000x64xf32, #tpu.memory_space<hbm>> -> memref<512x64xf32, #tpu.memory_space<hbm>>
        %dma_wait3A_404 = arith.constant 0 : i32
        %dma_wait3A_405 = arith.constant 0 : i32
        %dma_wait3A_406 = tpu.memref_slice %arg6[%dma_wait3A_404, %dma_wait3A_405] : memref<1024x64xf32, #tpu.memory_space<vmem>> -> memref<512x64xf32, #tpu.memory_space<vmem>>
        %dma_wait3A_407 = arith.constant 0 : i32
        %dma_wait3A_408 = arith.constant 0 : i32
        %dma_wait3A_409 = tpu.memref_slice %arg3[%dma_wait3A_407, %dma_wait3A_408] : memref<1000000x64xf32, #tpu.memory_space<hbm>> -> memref<512x64xf32, #tpu.memory_space<hbm>>
        tpu.wait_dma2 semaphore(%arg8 : memref<!tpu.dma_semaphore, #tpu.memory_space<semaphore_mem>>) src(%dma_wait3A_409 : memref<512x64xf32, #tpu.memory_space<hbm>>) dst(%dma_wait3A_406 : memref<512x64xf32, #tpu.memory_space<vmem>>)
        %dma_start3A_410 = arith.constant 0 : i32
        %dma_start3A_411 = arith.constant 0 : i32
        %dma_start3A_412 = arith.constant 0 : i32
        %dma_start3A_413 = tpu.memref_slice %arg5[%dma_start3A_410, %dma_start3A_411, %dma_start3A_412] : memref<2x4x128xi32, #tpu.memory_space<vmem>> -> memref<1x4x128xi32, #tpu.memory_space<vmem>>
        %dma_start3A_414 = tpu.memref_squeeze %dma_start3A_413 : memref<1x4x128xi32, #tpu.memory_space<vmem>> -> memref<4x128xi32, #tpu.memory_space<vmem>>
        %dma_start3A_415 = arith.constant 0 : i32
        %dma_start3A_416 = tpu.memref_slice %arg2[%min3A_193, %mul3A_2, %dma_start3A_415] : memref<200x128x128xi32, #tpu.memory_space<hbm>> -> memref<1x4x128xi32, #tpu.memory_space<hbm>>
        %dma_start3A_417 = tpu.memref_squeeze %dma_start3A_416 : memref<1x4x128xi32, #tpu.memory_space<hbm>> -> memref<4x128xi32, #tpu.memory_space<hbm>>
        %dma_start3A_418 = arith.constant 0 : i32
        %dma_start3A_419 = arith.constant 0 : i32
        %dma_start3A_420 = tpu.memref_slice %arg5[%dma_start3A_410, %dma_start3A_418, %dma_start3A_419] : memref<2x4x128xi32, #tpu.memory_space<vmem>> -> memref<1x4x128xi32, #tpu.memory_space<vmem>>
        %dma_start3A_421 = tpu.memref_squeeze %dma_start3A_420 : memref<1x4x128xi32, #tpu.memory_space<vmem>> -> memref<4x128xi32, #tpu.memory_space<vmem>>
        %dma_start3A_422 = arith.constant 0 : i32
        %dma_start3A_423 = tpu.memref_slice %arg2[%min3A_193, %mul3A_2, %dma_start3A_422] : memref<200x128x128xi32, #tpu.memory_space<hbm>> -> memref<1x4x128xi32, #tpu.memory_space<hbm>>
        %dma_start3A_424 = tpu.memref_squeeze %dma_start3A_423 : memref<1x4x128xi32, #tpu.memory_space<hbm>> -> memref<4x128xi32, #tpu.memory_space<hbm>>
        tpu.enqueue_dma source(%dma_start3A_424 : memref<4x128xi32, #tpu.memory_space<hbm>>) target(%dma_start3A_421 : memref<4x128xi32, #tpu.memory_space<vmem>>) target_semaphore(%arg11 : memref<!tpu.dma_semaphore, #tpu.memory_space<semaphore_mem>>)
      } else {
      }
      %eq3A_196 = arith.constant 1 : i32
      %eq3A_197 = arith.cmpi eq, %and3A_190, %eq3A_196 : i32
      %convert_element_type3A_198 = arith.extui %eq3A_197 : i1 to i32
      %cond3A_199 = arith.constant 0 : i32
      %cond3A_200 = arith.cmpi ne, %convert_element_type3A_198, %cond3A_199 : i32
      scf.if %cond3A_200 {
        %dma_wait3A_336 = arith.constant 0 : i32
        %dma_wait3A_337 = arith.constant 0 : i32
        %dma_wait3A_338 = arith.constant 0 : i32
        %dma_wait3A_339 = arith.constant 0 : i32
        %dma_wait3A_340 = tpu.memref_slice %arg5[%dma_wait3A_337, %dma_wait3A_338, %dma_wait3A_339] : memref<2x4x128xi32, #tpu.memory_space<vmem>> -> memref<1x4x128xi32, #tpu.memory_space<vmem>>
        %dma_wait3A_341 = tpu.memref_squeeze %dma_wait3A_340 : memref<1x4x128xi32, #tpu.memory_space<vmem>> -> memref<4x128xi32, #tpu.memory_space<vmem>>
        %dma_wait3A_342 = arith.constant 0 : i32
        %dma_wait3A_343 = arith.constant 0 : i32
        %dma_wait3A_344 = tpu.memref_slice %arg2[%dma_wait3A_336, %dma_wait3A_342, %dma_wait3A_343] : memref<200x128x128xi32, #tpu.memory_space<hbm>> -> memref<1x4x128xi32, #tpu.memory_space<hbm>>
        %dma_wait3A_345 = tpu.memref_squeeze %dma_wait3A_344 : memref<1x4x128xi32, #tpu.memory_space<hbm>> -> memref<4x128xi32, #tpu.memory_space<hbm>>
        %dma_wait3A_346 = arith.constant 0 : i32
        %dma_wait3A_347 = arith.constant 0 : i32
        %dma_wait3A_348 = tpu.memref_slice %arg5[%dma_wait3A_337, %dma_wait3A_346, %dma_wait3A_347] : memref<2x4x128xi32, #tpu.memory_space<vmem>> -> memref<1x4x128xi32, #tpu.memory_space<vmem>>
        %dma_wait3A_349 = tpu.memref_squeeze %dma_wait3A_348 : memref<1x4x128xi32, #tpu.memory_space<vmem>> -> memref<4x128xi32, #tpu.memory_space<vmem>>
        %dma_wait3A_350 = arith.constant 0 : i32
        %dma_wait3A_351 = arith.constant 0 : i32
        %dma_wait3A_352 = tpu.memref_slice %arg2[%dma_wait3A_336, %dma_wait3A_350, %dma_wait3A_351] : memref<200x128x128xi32, #tpu.memory_space<hbm>> -> memref<1x4x128xi32, #tpu.memory_space<hbm>>
        %dma_wait3A_353 = tpu.memref_squeeze %dma_wait3A_352 : memref<1x4x128xi32, #tpu.memory_space<hbm>> -> memref<4x128xi32, #tpu.memory_space<hbm>>
        tpu.wait_dma2 semaphore(%arg11 : memref<!tpu.dma_semaphore, #tpu.memory_space<semaphore_mem>>) src(%dma_wait3A_353 : memref<4x128xi32, #tpu.memory_space<hbm>>) dst(%dma_wait3A_349 : memref<4x128xi32, #tpu.memory_space<vmem>>)
        %dma_start3A_354 = arith.constant 0 : i32
        %dma_start3A_355 = arith.constant 0 : i32
        %dma_start3A_356 = arith.constant 0 : i32
        %dma_start3A_357 = arith.constant 0 : i32
        %dma_start3A_358 = tpu.memref_slice %arg6[%dma_start3A_356, %dma_start3A_357] : memref<1024x64xf32, #tpu.memory_space<vmem>> -> memref<128x64xf32, #tpu.memory_space<vmem>>
        %dma_start3A_359 = arith.constant 0 : i32
        %dma_start3A_360 = tpu.memref_slice %arg5[%dma_start3A_354, %dma_start3A_355, %dma_start3A_359] : memref<2x4x128xi32, #tpu.memory_space<vmem>> -> memref<1x1x128xi32, #tpu.memory_space<vmem>>
        %dma_start3A_361 = tpu.memref_squeeze %dma_start3A_360 : memref<1x1x128xi32, #tpu.memory_space<vmem>> -> memref<128xi32, #tpu.memory_space<vmem>>
        %dma_start3A_362 = arith.constant 0 : i32
        %dma_start3A_363 = arith.constant 0 : i32
        %dma_start3A_364 = tpu.memref_slice %arg3[%dma_start3A_362, %dma_start3A_363] : memref<1000000x64xf32, #tpu.memory_space<hbm>> -> memref<1000000x64xf32, #tpu.memory_space<hbm>>
        tpu.enqueue_indirect_dma source(%dma_start3A_364 : memref<1000000x64xf32, #tpu.memory_space<hbm>>) target(%dma_start3A_358 : memref<128x64xf32, #tpu.memory_space<vmem>>) offsets(%dma_start3A_361 : memref<128xi32, #tpu.memory_space<vmem>>) semaphore(%arg8 : memref<!tpu.dma_semaphore, #tpu.memory_space<semaphore_mem>>)
        %dma_start3A_365 = arith.constant 0 : i32
        %dma_start3A_366 = arith.constant 1 : i32
        %dma_start3A_367 = arith.constant 128 : i32
        %dma_start3A_368 = arith.constant 0 : i32
        %dma_start3A_369 = tpu.memref_slice %arg6[%dma_start3A_367, %dma_start3A_368] : memref<1024x64xf32, #tpu.memory_space<vmem>> -> memref<128x64xf32, #tpu.memory_space<vmem>>
        %dma_start3A_370 = arith.constant 0 : i32
        %dma_start3A_371 = tpu.memref_slice %arg5[%dma_start3A_365, %dma_start3A_366, %dma_start3A_370] : memref<2x4x128xi32, #tpu.memory_space<vmem>> -> memref<1x1x128xi32, #tpu.memory_space<vmem>>
        %dma_start3A_372 = tpu.memref_squeeze %dma_start3A_371 : memref<1x1x128xi32, #tpu.memory_space<vmem>> -> memref<128xi32, #tpu.memory_space<vmem>>
        %dma_start3A_373 = arith.constant 0 : i32
        %dma_start3A_374 = arith.constant 0 : i32
        %dma_start3A_375 = tpu.memref_slice %arg3[%dma_start3A_373, %dma_start3A_374] : memref<1000000x64xf32, #tpu.memory_space<hbm>> -> memref<1000000x64xf32, #tpu.memory_space<hbm>>
        tpu.enqueue_indirect_dma source(%dma_start3A_375 : memref<1000000x64xf32, #tpu.memory_space<hbm>>) target(%dma_start3A_369 : memref<128x64xf32, #tpu.memory_space<vmem>>) offsets(%dma_start3A_372 : memref<128xi32, #tpu.memory_space<vmem>>) semaphore(%arg8 : memref<!tpu.dma_semaphore, #tpu.memory_space<semaphore_mem>>)
        %dma_start3A_376 = arith.constant 0 : i32
        %dma_start3A_377 = arith.constant 2 : i32
        %dma_start3A_378 = arith.constant 256 : i32
        %dma_start3A_379 = arith.constant 0 : i32
        %dma_start3A_380 = tpu.memref_slice %arg6[%dma_start3A_378, %dma_start3A_379] : memref<1024x64xf32, #tpu.memory_space<vmem>> -> memref<128x64xf32, #tpu.memory_space<vmem>>
        %dma_start3A_381 = arith.constant 0 : i32
        %dma_start3A_382 = tpu.memref_slice %arg5[%dma_start3A_376, %dma_start3A_377, %dma_start3A_381] : memref<2x4x128xi32, #tpu.memory_space<vmem>> -> memref<1x1x128xi32, #tpu.memory_space<vmem>>
        %dma_start3A_383 = tpu.memref_squeeze %dma_start3A_382 : memref<1x1x128xi32, #tpu.memory_space<vmem>> -> memref<128xi32, #tpu.memory_space<vmem>>
        %dma_start3A_384 = arith.constant 0 : i32
        %dma_start3A_385 = arith.constant 0 : i32
        %dma_start3A_386 = tpu.memref_slice %arg3[%dma_start3A_384, %dma_start3A_385] : memref<1000000x64xf32, #tpu.memory_space<hbm>> -> memref<1000000x64xf32, #tpu.memory_space<hbm>>
        tpu.enqueue_indirect_dma source(%dma_start3A_386 : memref<1000000x64xf32, #tpu.memory_space<hbm>>) target(%dma_start3A_380 : memref<128x64xf32, #tpu.memory_space<vmem>>) offsets(%dma_start3A_383 : memref<128xi32, #tpu.memory_space<vmem>>) semaphore(%arg8 : memref<!tpu.dma_semaphore, #tpu.memory_space<semaphore_mem>>)
        %dma_start3A_387 = arith.constant 0 : i32
        %dma_start3A_388 = arith.constant 3 : i32
        %dma_start3A_389 = arith.constant 384 : i32
        %dma_start3A_390 = arith.constant 0 : i32
        %dma_start3A_391 = tpu.memref_slice %arg6[%dma_start3A_389, %dma_start3A_390] : memref<1024x64xf32, #tpu.memory_space<vmem>> -> memref<128x64xf32, #tpu.memory_space<vmem>>
        %dma_start3A_392 = arith.constant 0 : i32
        %dma_start3A_393 = tpu.memref_slice %arg5[%dma_start3A_387, %dma_start3A_388, %dma_start3A_392] : memref<2x4x128xi32, #tpu.memory_space<vmem>> -> memref<1x1x128xi32, #tpu.memory_space<vmem>>
        %dma_start3A_394 = tpu.memref_squeeze %dma_start3A_393 : memref<1x1x128xi32, #tpu.memory_space<vmem>> -> memref<128xi32, #tpu.memory_space<vmem>>
        %dma_start3A_395 = arith.constant 0 : i32
        %dma_start3A_396 = arith.constant 0 : i32
        %dma_start3A_397 = tpu.memref_slice %arg3[%dma_start3A_395, %dma_start3A_396] : memref<1000000x64xf32, #tpu.memory_space<hbm>> -> memref<1000000x64xf32, #tpu.memory_space<hbm>>
        tpu.enqueue_indirect_dma source(%dma_start3A_397 : memref<1000000x64xf32, #tpu.memory_space<hbm>>) target(%dma_start3A_391 : memref<128x64xf32, #tpu.memory_space<vmem>>) offsets(%dma_start3A_394 : memref<128xi32, #tpu.memory_space<vmem>>) semaphore(%arg8 : memref<!tpu.dma_semaphore, #tpu.memory_space<semaphore_mem>>)
        %dma_wait3A_398 = arith.constant 512 : i32
        %dma_wait3A_399 = arith.constant 0 : i32
        %dma_wait3A_400 = tpu.memref_slice %arg6[%dma_wait3A_398, %dma_wait3A_399] : memref<1024x64xf32, #tpu.memory_space<vmem>> -> memref<512x64xf32, #tpu.memory_space<vmem>>
        %dma_wait3A_401 = arith.constant 0 : i32
        %dma_wait3A_402 = arith.constant 0 : i32
        %dma_wait3A_403 = tpu.memref_slice %arg3[%dma_wait3A_401, %dma_wait3A_402] : memref<1000000x64xf32, #tpu.memory_space<hbm>> -> memref<512x64xf32, #tpu.memory_space<hbm>>
        %dma_wait3A_404 = arith.constant 512 : i32
        %dma_wait3A_405 = arith.constant 0 : i32
        %dma_wait3A_406 = tpu.memref_slice %arg6[%dma_wait3A_404, %dma_wait3A_405] : memref<1024x64xf32, #tpu.memory_space<vmem>> -> memref<512x64xf32, #tpu.memory_space<vmem>>
        %dma_wait3A_407 = arith.constant 0 : i32
        %dma_wait3A_408 = arith.constant 0 : i32
        %dma_wait3A_409 = tpu.memref_slice %arg3[%dma_wait3A_407, %dma_wait3A_408] : memref<1000000x64xf32, #tpu.memory_space<hbm>> -> memref<512x64xf32, #tpu.memory_space<hbm>>
        tpu.wait_dma2 semaphore(%arg9 : memref<!tpu.dma_semaphore, #tpu.memory_space<semaphore_mem>>) src(%dma_wait3A_409 : memref<512x64xf32, #tpu.memory_space<hbm>>) dst(%dma_wait3A_406 : memref<512x64xf32, #tpu.memory_space<vmem>>)
        %dma_start3A_410 = arith.constant 1 : i32
        %dma_start3A_411 = arith.constant 0 : i32
        %dma_start3A_412 = arith.constant 0 : i32
        %dma_start3A_413 = tpu.memref_slice %arg5[%dma_start3A_410, %dma_start3A_411, %dma_start3A_412] : memref<2x4x128xi32, #tpu.memory_space<vmem>> -> memref<1x4x128xi32, #tpu.memory_space<vmem>>
        %dma_start3A_414 = tpu.memref_squeeze %dma_start3A_413 : memref<1x4x128xi32, #tpu.memory_space<vmem>> -> memref<4x128xi32, #tpu.memory_space<vmem>>
        %dma_start3A_415 = arith.constant 0 : i32
        %dma_start3A_416 = tpu.memref_slice %arg2[%min3A_193, %mul3A_2, %dma_start3A_415] : memref<200x128x128xi32, #tpu.memory_space<hbm>> -> memref<1x4x128xi32, #tpu.memory_space<hbm>>
        %dma_start3A_417 = tpu.memref_squeeze %dma_start3A_416 : memref<1x4x128xi32, #tpu.memory_space<hbm>> -> memref<4x128xi32, #tpu.memory_space<hbm>>
        %dma_start3A_418 = arith.constant 0 : i32
        %dma_start3A_419 = arith.constant 0 : i32
        %dma_start3A_420 = tpu.memref_slice %arg5[%dma_start3A_410, %dma_start3A_418, %dma_start3A_419] : memref<2x4x128xi32, #tpu.memory_space<vmem>> -> memref<1x4x128xi32, #tpu.memory_space<vmem>>
        %dma_start3A_421 = tpu.memref_squeeze %dma_start3A_420 : memref<1x4x128xi32, #tpu.memory_space<vmem>> -> memref<4x128xi32, #tpu.memory_space<vmem>>
        %dma_start3A_422 = arith.constant 0 : i32
        %dma_start3A_423 = tpu.memref_slice %arg2[%min3A_193, %mul3A_2, %dma_start3A_422] : memref<200x128x128xi32, #tpu.memory_space<hbm>> -> memref<1x4x128xi32, #tpu.memory_space<hbm>>
        %dma_start3A_424 = tpu.memref_squeeze %dma_start3A_423 : memref<1x4x128xi32, #tpu.memory_space<hbm>> -> memref<4x128xi32, #tpu.memory_space<hbm>>
        tpu.enqueue_dma source(%dma_start3A_424 : memref<4x128xi32, #tpu.memory_space<hbm>>) target(%dma_start3A_421 : memref<4x128xi32, #tpu.memory_space<vmem>>) target_semaphore(%arg12 : memref<!tpu.dma_semaphore, #tpu.memory_space<semaphore_mem>>)
      } else {
      }
      %gt3A = arith.constant 0 : i32
      %gt3A_201 = arith.cmpi sgt, %scan3A_189, %gt3A : i32
      %convert_element_type3A_202 = arith.extui %gt3A_201 : i1 to i32
      %cond3A_203 = arith.constant 0 : i32
      %cond3A_204 = arith.cmpi ne, %convert_element_type3A_202, %cond3A_203 : i32
      scf.if %cond3A_204 {
        %dma_wait3A_336 = arith.constant 0 : i32
        %dma_wait3A_337 = arith.constant 0 : i32
        %dma_wait3A_338 = arith.constant 0 : i32
        %dma_wait3A_339 = arith.constant 0 : i32
        %dma_wait3A_340 = arith.constant 0 : i32
        %dma_wait3A_341 = tpu.memref_slice %arg7[%dma_wait3A_337, %dma_wait3A_338, %dma_wait3A_339, %dma_wait3A_340] : memref<8x1x8x515xf32, #tpu.memory_space<vmem>> -> memref<8x1x8x128xf32, #tpu.memory_space<vmem>>
        %dma_wait3A_342 = arith.constant 0 : i32
        %dma_wait3A_343 = arith.constant 0 : i32
        %dma_wait3A_344 = arith.constant 0 : i32
        %dma_wait3A_345 = arith.constant 0 : i32
        %dma_wait3A_346 = tpu.memref_slice %arg4[%dma_wait3A_336, %dma_wait3A_342, %dma_wait3A_343, %dma_wait3A_344, %dma_wait3A_345] : memref<200x8x128x8x128xf32, #tpu.memory_space<hbm>> -> memref<1x8x1x8x128xf32, #tpu.memory_space<hbm>>
        %dma_wait3A_347 = tpu.memref_squeeze %dma_wait3A_346 : memref<1x8x1x8x128xf32, #tpu.memory_space<hbm>> -> memref<8x1x8x128xf32, #tpu.memory_space<hbm>>
        %dma_wait3A_348 = arith.constant 0 : i32
        %dma_wait3A_349 = arith.constant 0 : i32
        %dma_wait3A_350 = arith.constant 0 : i32
        %dma_wait3A_351 = arith.constant 0 : i32
        %dma_wait3A_352 = tpu.memref_slice %arg7[%dma_wait3A_348, %dma_wait3A_349, %dma_wait3A_350, %dma_wait3A_351] : memref<8x1x8x515xf32, #tpu.memory_space<vmem>> -> memref<8x1x8x128xf32, #tpu.memory_space<vmem>>
        %dma_wait3A_353 = arith.constant 0 : i32
        %dma_wait3A_354 = arith.constant 0 : i32
        %dma_wait3A_355 = arith.constant 0 : i32
        %dma_wait3A_356 = arith.constant 0 : i32
        %dma_wait3A_357 = tpu.memref_slice %arg4[%dma_wait3A_336, %dma_wait3A_353, %dma_wait3A_354, %dma_wait3A_355, %dma_wait3A_356] : memref<200x8x128x8x128xf32, #tpu.memory_space<hbm>> -> memref<1x8x1x8x128xf32, #tpu.memory_space<hbm>>
        %dma_wait3A_358 = tpu.memref_squeeze %dma_wait3A_357 : memref<1x8x1x8x128xf32, #tpu.memory_space<hbm>> -> memref<8x1x8x128xf32, #tpu.memory_space<hbm>>
        tpu.wait_dma2 semaphore(%arg10 : memref<!tpu.dma_semaphore, #tpu.memory_space<semaphore_mem>>) src(%dma_wait3A_358 : memref<8x1x8x128xf32, #tpu.memory_space<hbm>>) dst(%dma_wait3A_352 : memref<8x1x8x128xf32, #tpu.memory_space<vmem>>)
        %dma_wait3A_359 = arith.constant 0 : i32
        %dma_wait3A_360 = arith.constant 0 : i32
        %dma_wait3A_361 = arith.constant 0 : i32
        %dma_wait3A_362 = arith.constant 0 : i32
        %dma_wait3A_363 = arith.constant 0 : i32
        %dma_wait3A_364 = tpu.memref_slice %arg7[%dma_wait3A_360, %dma_wait3A_361, %dma_wait3A_362, %dma_wait3A_363] : memref<8x1x8x515xf32, #tpu.memory_space<vmem>> -> memref<8x1x8x128xf32, #tpu.memory_space<vmem>>
        %dma_wait3A_365 = arith.constant 0 : i32
        %dma_wait3A_366 = arith.constant 0 : i32
        %dma_wait3A_367 = arith.constant 0 : i32
        %dma_wait3A_368 = arith.constant 0 : i32
        %dma_wait3A_369 = tpu.memref_slice %arg4[%dma_wait3A_359, %dma_wait3A_365, %dma_wait3A_366, %dma_wait3A_367, %dma_wait3A_368] : memref<200x8x128x8x128xf32, #tpu.memory_space<hbm>> -> memref<1x8x1x8x128xf32, #tpu.memory_space<hbm>>
        %dma_wait3A_370 = tpu.memref_squeeze %dma_wait3A_369 : memref<1x8x1x8x128xf32, #tpu.memory_space<hbm>> -> memref<8x1x8x128xf32, #tpu.memory_space<hbm>>
        %dma_wait3A_371 = arith.constant 0 : i32
        %dma_wait3A_372 = arith.constant 0 : i32
        %dma_wait3A_373 = arith.constant 0 : i32
        %dma_wait3A_374 = arith.constant 0 : i32
        %dma_wait3A_375 = tpu.memref_slice %arg7[%dma_wait3A_371, %dma_wait3A_372, %dma_wait3A_373, %dma_wait3A_374] : memref<8x1x8x515xf32, #tpu.memory_space<vmem>> -> memref<8x1x8x128xf32, #tpu.memory_space<vmem>>
        %dma_wait3A_376 = arith.constant 0 : i32
        %dma_wait3A_377 = arith.constant 0 : i32
        %dma_wait3A_378 = arith.constant 0 : i32
        %dma_wait3A_379 = arith.constant 0 : i32
        %dma_wait3A_380 = tpu.memref_slice %arg4[%dma_wait3A_359, %dma_wait3A_376, %dma_wait3A_377, %dma_wait3A_378, %dma_wait3A_379] : memref<200x8x128x8x128xf32, #tpu.memory_space<hbm>> -> memref<1x8x1x8x128xf32, #tpu.memory_space<hbm>>
        %dma_wait3A_381 = tpu.memref_squeeze %dma_wait3A_380 : memref<1x8x1x8x128xf32, #tpu.memory_space<hbm>> -> memref<8x1x8x128xf32, #tpu.memory_space<hbm>>
        tpu.wait_dma2 semaphore(%arg10 : memref<!tpu.dma_semaphore, #tpu.memory_space<semaphore_mem>>) src(%dma_wait3A_381 : memref<8x1x8x128xf32, #tpu.memory_space<hbm>>) dst(%dma_wait3A_375 : memref<8x1x8x128xf32, #tpu.memory_space<vmem>>)
        %dma_wait3A_382 = arith.constant 0 : i32
        %dma_wait3A_383 = arith.constant 0 : i32
        %dma_wait3A_384 = arith.constant 0 : i32
        %dma_wait3A_385 = arith.constant 0 : i32
        %dma_wait3A_386 = arith.constant 0 : i32
        %dma_wait3A_387 = tpu.memref_slice %arg7[%dma_wait3A_383, %dma_wait3A_384, %dma_wait3A_385, %dma_wait3A_386] : memref<8x1x8x515xf32, #tpu.memory_space<vmem>> -> memref<8x1x8x128xf32, #tpu.memory_space<vmem>>
        %dma_wait3A_388 = arith.constant 0 : i32
        %dma_wait3A_389 = arith.constant 0 : i32
        %dma_wait3A_390 = arith.constant 0 : i32
        %dma_wait3A_391 = arith.constant 0 : i32
        %dma_wait3A_392 = tpu.memref_slice %arg4[%dma_wait3A_382, %dma_wait3A_388, %dma_wait3A_389, %dma_wait3A_390, %dma_wait3A_391] : memref<200x8x128x8x128xf32, #tpu.memory_space<hbm>> -> memref<1x8x1x8x128xf32, #tpu.memory_space<hbm>>
        %dma_wait3A_393 = tpu.memref_squeeze %dma_wait3A_392 : memref<1x8x1x8x128xf32, #tpu.memory_space<hbm>> -> memref<8x1x8x128xf32, #tpu.memory_space<hbm>>
        %dma_wait3A_394 = arith.constant 0 : i32
        %dma_wait3A_395 = arith.constant 0 : i32
        %dma_wait3A_396 = arith.constant 0 : i32
        %dma_wait3A_397 = arith.constant 0 : i32
        %dma_wait3A_398 = tpu.memref_slice %arg7[%dma_wait3A_394, %dma_wait3A_395, %dma_wait3A_396, %dma_wait3A_397] : memref<8x1x8x515xf32, #tpu.memory_space<vmem>> -> memref<8x1x8x128xf32, #tpu.memory_space<vmem>>
        %dma_wait3A_399 = arith.constant 0 : i32
        %dma_wait3A_400 = arith.constant 0 : i32
        %dma_wait3A_401 = arith.constant 0 : i32
        %dma_wait3A_402 = arith.constant 0 : i32
        %dma_wait3A_403 = tpu.memref_slice %arg4[%dma_wait3A_382, %dma_wait3A_399, %dma_wait3A_400, %dma_wait3A_401, %dma_wait3A_402] : memref<200x8x128x8x128xf32, #tpu.memory_space<hbm>> -> memref<1x8x1x8x128xf32, #tpu.memory_space<hbm>>
        %dma_wait3A_404 = tpu.memref_squeeze %dma_wait3A_403 : memref<1x8x1x8x128xf32, #tpu.memory_space<hbm>> -> memref<8x1x8x128xf32, #tpu.memory_space<hbm>>
        tpu.wait_dma2 semaphore(%arg10 : memref<!tpu.dma_semaphore, #tpu.memory_space<semaphore_mem>>) src(%dma_wait3A_404 : memref<8x1x8x128xf32, #tpu.memory_space<hbm>>) dst(%dma_wait3A_398 : memref<8x1x8x128xf32, #tpu.memory_space<vmem>>)
        %dma_wait3A_405 = arith.constant 0 : i32
        %dma_wait3A_406 = arith.constant 0 : i32
        %dma_wait3A_407 = arith.constant 0 : i32
        %dma_wait3A_408 = arith.constant 0 : i32
        %dma_wait3A_409 = arith.constant 0 : i32
        %dma_wait3A_410 = tpu.memref_slice %arg7[%dma_wait3A_406, %dma_wait3A_407, %dma_wait3A_408, %dma_wait3A_409] : memref<8x1x8x515xf32, #tpu.memory_space<vmem>> -> memref<8x1x8x128xf32, #tpu.memory_space<vmem>>
        %dma_wait3A_411 = arith.constant 0 : i32
        %dma_wait3A_412 = arith.constant 0 : i32
        %dma_wait3A_413 = arith.constant 0 : i32
        %dma_wait3A_414 = arith.constant 0 : i32
        %dma_wait3A_415 = tpu.memref_slice %arg4[%dma_wait3A_405, %dma_wait3A_411, %dma_wait3A_412, %dma_wait3A_413, %dma_wait3A_414] : memref<200x8x128x8x128xf32, #tpu.memory_space<hbm>> -> memref<1x8x1x8x128xf32, #tpu.memory_space<hbm>>
        %dma_wait3A_416 = tpu.memref_squeeze %dma_wait3A_415 : memref<1x8x1x8x128xf32, #tpu.memory_space<hbm>> -> memref<8x1x8x128xf32, #tpu.memory_space<hbm>>
        %dma_wait3A_417 = arith.constant 0 : i32
        %dma_wait3A_418 = arith.constant 0 : i32
        %dma_wait3A_419 = arith.constant 0 : i32
        %dma_wait3A_420 = arith.constant 0 : i32
        %dma_wait3A_421 = tpu.memref_slice %arg7[%dma_wait3A_417, %dma_wait3A_418, %dma_wait3A_419, %dma_wait3A_420] : memref<8x1x8x515xf32, #tpu.memory_space<vmem>> -> memref<8x1x8x128xf32, #tpu.memory_space<vmem>>
        %dma_wait3A_422 = arith.constant 0 : i32
        %dma_wait3A_423 = arith.constant 0 : i32
        %dma_wait3A_424 = arith.constant 0 : i32
        %dma_wait3A_425 = arith.constant 0 : i32
        %dma_wait3A_426 = tpu.memref_slice %arg4[%dma_wait3A_405, %dma_wait3A_422, %dma_wait3A_423, %dma_wait3A_424, %dma_wait3A_425] : memref<200x8x128x8x128xf32, #tpu.memory_space<hbm>> -> memref<1x8x1x8x128xf32, #tpu.memory_space<hbm>>
        %dma_wait3A_427 = tpu.memref_squeeze %dma_wait3A_426 : memref<1x8x1x8x128xf32, #tpu.memory_space<hbm>> -> memref<8x1x8x128xf32, #tpu.memory_space<hbm>>
        tpu.wait_dma2 semaphore(%arg10 : memref<!tpu.dma_semaphore, #tpu.memory_space<semaphore_mem>>) src(%dma_wait3A_427 : memref<8x1x8x128xf32, #tpu.memory_space<hbm>>) dst(%dma_wait3A_421 : memref<8x1x8x128xf32, #tpu.memory_space<vmem>>)
      } else {
      }
      %mul3A_205 = arith.constant 512 : i32
      %mul3A_206 = arith.muli %and3A_190, %mul3A_205 : i32
      %iota3A = tpu.iota {dimensions = array<i32: 0>} : vector<16xi32>
      %add3A_207 = arith.constant 0 : i32
      %add3A_208 = vector.broadcast %add3A_207 : i32 to vector<16xi32>
      %add3A_209 = arith.addi %iota3A, %add3A_208 : vector<16xi32>
      %iota3A_210 = tpu.iota {dimensions = array<i32: 0>} : vector<16xi32>
      %add3A_211 = arith.constant 16 : i32
      %add3A_212 = vector.broadcast %add3A_211 : i32 to vector<16xi32>
      %add3A_213 = arith.addi %iota3A_210, %add3A_212 : vector<16xi32>
      %iota3A_214 = tpu.iota {dimensions = array<i32: 0>} : vector<16xi32>
      %add3A_215 = arith.constant 32 : i32
      %add3A_216 = vector.broadcast %add3A_215 : i32 to vector<16xi32>
      %add3A_217 = arith.addi %iota3A_214, %add3A_216 : vector<16xi32>
      %iota3A_218 = tpu.iota {dimensions = array<i32: 0>} : vector<16xi32>
      %add3A_219 = arith.constant 48 : i32
      %add3A_220 = vector.broadcast %add3A_219 : i32 to vector<16xi32>
      %add3A_221 = arith.addi %iota3A_218, %add3A_220 : vector<16xi32>
      %shift_right_arithmetic3A = arith.constant 3 : i32
      %shift_right_arithmetic3A_222 = vector.broadcast %shift_right_arithmetic3A : i32 to vector<16xi32>
      %shift_right_arithmetic3A_223 = arith.shrsi %add3A_209, %shift_right_arithmetic3A_222 : vector<16xi32>
      %shift_right_arithmetic3A_224 = arith.constant 3 : i32
      %shift_right_arithmetic3A_225 = vector.broadcast %shift_right_arithmetic3A_224 : i32 to vector<16xi32>
      %shift_right_arithmetic3A_226 = arith.shrsi %add3A_213, %shift_right_arithmetic3A_225 : vector<16xi32>
      %shift_right_arithmetic3A_227 = arith.constant 3 : i32
      %shift_right_arithmetic3A_228 = vector.broadcast %shift_right_arithmetic3A_227 : i32 to vector<16xi32>
      %shift_right_arithmetic3A_229 = arith.shrsi %add3A_217, %shift_right_arithmetic3A_228 : vector<16xi32>
      %shift_right_arithmetic3A_230 = arith.constant 3 : i32
      %shift_right_arithmetic3A_231 = vector.broadcast %shift_right_arithmetic3A_230 : i32 to vector<16xi32>
      %shift_right_arithmetic3A_232 = arith.shrsi %add3A_221, %shift_right_arithmetic3A_231 : vector<16xi32>
      %and3A_233 = arith.constant 7 : i32
      %and3A_234 = vector.broadcast %and3A_233 : i32 to vector<16xi32>
      %and3A_235 = arith.andi %add3A_209, %and3A_234 : vector<16xi32>
      %and3A_236 = arith.constant 7 : i32
      %and3A_237 = vector.broadcast %and3A_236 : i32 to vector<16xi32>
      %and3A_238 = arith.andi %add3A_213, %and3A_237 : vector<16xi32>
      %and3A_239 = arith.constant 7 : i32
      %and3A_240 = vector.broadcast %and3A_239 : i32 to vector<16xi32>
      %and3A_241 = arith.andi %add3A_217, %and3A_240 : vector<16xi32>
      %and3A_242 = arith.constant 7 : i32
      %and3A_243 = vector.broadcast %and3A_242 : i32 to vector<16xi32>
      %and3A_244 = arith.andi %add3A_221, %and3A_243 : vector<16xi32>
      %broadcast_in_dim3A = arith.constant 0 : i32
      %broadcast_in_dim3A_245 = vector.broadcast %broadcast_in_dim3A : i32 to vector<16xi32>
      %parallel_loop3A = arith.constant 0 : i32
      %parallel_loop3A_246 = arith.constant 512 : i32
      %parallel_loop3A_247 = arith.constant 1 : i32
      scf.for %parallel_loop3A_336 = %parallel_loop3A to %parallel_loop3A_246 step %parallel_loop3A_247  : i32 {
        %parallel_loop3A_337 = vector.broadcast %parallel_loop3A_336 : i32 to vector<16xi32>
        %parallel_loop3A_338 = arith.addi %mul3A_206, %parallel_loop3A_336 : i32
        %parallel_loop3A_339 = arith.index_cast %parallel_loop3A_338 : i32 to index
        %parallel_loop3A_340 = arith.constant 0 : index
        %parallel_loop3A_341 = tpu.vector_load %arg6[%parallel_loop3A_339, %parallel_loop3A_340] {strides = array<i32>} : memref<1024x64xf32, #tpu.memory_space<vmem>>, vector<16xf32>,
        %parallel_loop3A_342 = arith.constant 8.000000e+00 : f32
        %parallel_loop3A_343 = vector.broadcast %parallel_loop3A_342 : f32 to vector<16xf32>
        %parallel_loop3A_344 = arith.mulf %parallel_loop3A_341, %parallel_loop3A_343 : vector<16xf32>
        tpu.vector_store_idx %arg7[%shift_right_arithmetic3A_223, %broadcast_in_dim3A_245, %and3A_235, %parallel_loop3A_337], %parallel_loop3A_344 : memref<8x1x8x515xf32, #tpu.memory_space<vmem>>[vector<16xi32>, vector<16xi32>, vector<16xi32>, vector<16xi32>], vector<16xf32>,
        %parallel_loop3A_345 = arith.addi %mul3A_206, %parallel_loop3A_336 : i32
        %parallel_loop3A_346 = arith.index_cast %parallel_loop3A_345 : i32 to index
        %parallel_loop3A_347 = arith.constant 16 : index
        %parallel_loop3A_348 = tpu.vector_load %arg6[%parallel_loop3A_346, %parallel_loop3A_347] {strides = array<i32>} : memref<1024x64xf32, #tpu.memory_space<vmem>>, vector<16xf32>,
        %parallel_loop3A_349 = arith.constant 8.000000e+00 : f32
        %parallel_loop3A_350 = vector.broadcast %parallel_loop3A_349 : f32 to vector<16xf32>
        %parallel_loop3A_351 = arith.mulf %parallel_loop3A_348, %parallel_loop3A_350 : vector<16xf32>
        tpu.vector_store_idx %arg7[%shift_right_arithmetic3A_226, %broadcast_in_dim3A_245, %and3A_238, %parallel_loop3A_337], %parallel_loop3A_351 : memref<8x1x8x515xf32, #tpu.memory_space<vmem>>[vector<16xi32>, vector<16xi32>, vector<16xi32>, vector<16xi32>], vector<16xf32>,
        %parallel_loop3A_352 = arith.addi %mul3A_206, %parallel_loop3A_336 : i32
        %parallel_loop3A_353 = arith.index_cast %parallel_loop3A_352 : i32 to index
        %parallel_loop3A_354 = arith.constant 32 : index
        %parallel_loop3A_355 = tpu.vector_load %arg6[%parallel_loop3A_353, %parallel_loop3A_354] {strides = array<i32>} : memref<1024x64xf32, #tpu.memory_space<vmem>>, vector<16xf32>,
        %parallel_loop3A_356 = arith.constant 8.000000e+00 : f32
        %parallel_loop3A_357 = vector.broadcast %parallel_loop3A_356 : f32 to vector<16xf32>
        %parallel_loop3A_358 = arith.mulf %parallel_loop3A_355, %parallel_loop3A_357 : vector<16xf32>
        tpu.vector_store_idx %arg7[%shift_right_arithmetic3A_229, %broadcast_in_dim3A_245, %and3A_241, %parallel_loop3A_337], %parallel_loop3A_358 : memref<8x1x8x515xf32, #tpu.memory_space<vmem>>[vector<16xi32>, vector<16xi32>, vector<16xi32>, vector<16xi32>], vector<16xf32>,
        %parallel_loop3A_359 = arith.addi %mul3A_206, %parallel_loop3A_336 : i32
        %parallel_loop3A_360 = arith.index_cast %parallel_loop3A_359 : i32 to index
        %parallel_loop3A_361 = arith.constant 48 : index
        %parallel_loop3A_362 = tpu.vector_load %arg6[%parallel_loop3A_360, %parallel_loop3A_361] {strides = array<i32>} : memref<1024x64xf32, #tpu.memory_space<vmem>>, vector<16xf32>,
        %parallel_loop3A_363 = arith.constant 8.000000e+00 : f32
        %parallel_loop3A_364 = vector.broadcast %parallel_loop3A_363 : f32 to vector<16xf32>
        %parallel_loop3A_365 = arith.mulf %parallel_loop3A_362, %parallel_loop3A_364 : vector<16xf32>
        tpu.vector_store_idx %arg7[%shift_right_arithmetic3A_232, %broadcast_in_dim3A_245, %and3A_244, %parallel_loop3A_337], %parallel_loop3A_365 : memref<8x1x8x515xf32, #tpu.memory_space<vmem>>[vector<16xi32>, vector<16xi32>, vector<16xi32>, vector<16xi32>], vector<16xf32>,
      } {sc.loop_unroll_factor = 8 : i64, sc.parallel_access}
      %add3A_248 = arith.constant 0 : i32
      %add3A_249 = arith.addi %mul3A_2, %add3A_248 : i32
      %dma_start3A_250 = arith.constant 0 : i32
      %dma_start3A_251 = arith.constant 0 : i32
      %dma_start3A_252 = arith.constant 0 : i32
      %dma_start3A_253 = arith.constant 0 : i32
      %dma_start3A_254 = tpu.memref_slice %arg7[%dma_start3A_250, %dma_start3A_251, %dma_start3A_252, %dma_start3A_253] : memref<8x1x8x515xf32, #tpu.memory_space<vmem>> -> memref<8x1x8x128xf32, #tpu.memory_space<vmem>>
      %dma_start3A_255 = arith.constant 0 : i32
      %dma_start3A_256 = arith.constant 0 : i32
      %dma_start3A_257 = arith.constant 0 : i32
      %dma_start3A_258 = tpu.memref_slice %arg4[%scan3A_189, %dma_start3A_255, %add3A_249, %dma_start3A_256, %dma_start3A_257] : memref<200x8x128x8x128xf32, #tpu.memory_space<hbm>> -> memref<1x8x1x8x128xf32, #tpu.memory_space<hbm>>
      %dma_start3A_259 = tpu.memref_squeeze %dma_start3A_258 : memref<1x8x1x8x128xf32, #tpu.memory_space<hbm>> -> memref<8x1x8x128xf32, #tpu.memory_space<hbm>>
      %dma_start3A_260 = arith.constant 0 : i32
      %dma_start3A_261 = arith.constant 0 : i32
      %dma_start3A_262 = arith.constant 0 : i32
      %dma_start3A_263 = tpu.memref_slice %arg4[%scan3A_189, %dma_start3A_260, %add3A_249, %dma_start3A_261, %dma_start3A_262] : memref<200x8x128x8x128xf32, #tpu.memory_space<hbm>> -> memref<1x8x1x8x128xf32, #tpu.memory_space<hbm>>
      %dma_start3A_264 = tpu.memref_squeeze %dma_start3A_263 : memref<1x8x1x8x128xf32, #tpu.memory_space<hbm>> -> memref<8x1x8x128xf32, #tpu.memory_space<hbm>>
      %dma_start3A_265 = arith.constant 0 : i32
      %dma_start3A_266 = arith.constant 0 : i32
      %dma_start3A_267 = arith.constant 0 : i32
      %dma_start3A_268 = arith.constant 0 : i32
      %dma_start3A_269 = tpu.memref_slice %arg7[%dma_start3A_265, %dma_start3A_266, %dma_start3A_267, %dma_start3A_268] : memref<8x1x8x515xf32, #tpu.memory_space<vmem>> -> memref<8x1x8x128xf32, #tpu.memory_space<vmem>>
      tpu.enqueue_dma source(%dma_start3A_269 : memref<8x1x8x128xf32, #tpu.memory_space<vmem>>) target(%dma_start3A_264 : memref<8x1x8x128xf32, #tpu.memory_space<hbm>>) target_semaphore(%arg10 : memref<!tpu.dma_semaphore, #tpu.memory_space<semaphore_mem>>)
      %add3A_270 = arith.constant 1 : i32
      %add3A_271 = arith.addi %mul3A_2, %add3A_270 : i32
      %dma_start3A_272 = arith.constant 0 : i32
      %dma_start3A_273 = arith.constant 0 : i32
      %dma_start3A_274 = arith.constant 0 : i32
      %dma_start3A_275 = arith.constant 128 : i32
      %dma_start3A_276 = tpu.memref_slice %arg7[%dma_start3A_272, %dma_start3A_273, %dma_start3A_274, %dma_start3A_275] : memref<8x1x8x515xf32, #tpu.memory_space<vmem>> -> memref<8x1x8x128xf32, #tpu.memory_space<vmem>>
      %dma_start3A_277 = arith.constant 0 : i32
      %dma_start3A_278 = arith.constant 0 : i32
      %dma_start3A_279 = arith.constant 0 : i32
      %dma_start3A_280 = tpu.memref_slice %arg4[%scan3A_189, %dma_start3A_277, %add3A_271, %dma_start3A_278, %dma_start3A_279] : memref<200x8x128x8x128xf32, #tpu.memory_space<hbm>> -> memref<1x8x1x8x128xf32, #tpu.memory_space<hbm>>
      %dma_start3A_281 = tpu.memref_squeeze %dma_start3A_280 : memref<1x8x1x8x128xf32, #tpu.memory_space<hbm>> -> memref<8x1x8x128xf32, #tpu.memory_space<hbm>>
      %dma_start3A_282 = arith.constant 0 : i32
      %dma_start3A_283 = arith.constant 0 : i32
      %dma_start3A_284 = arith.constant 0 : i32
      %dma_start3A_285 = tpu.memref_slice %arg4[%scan3A_189, %dma_start3A_282, %add3A_271, %dma_start3A_283, %dma_start3A_284] : memref<200x8x128x8x128xf32, #tpu.memory_space<hbm>> -> memref<1x8x1x8x128xf32, #tpu.memory_space<hbm>>
      %dma_start3A_286 = tpu.memref_squeeze %dma_start3A_285 : memref<1x8x1x8x128xf32, #tpu.memory_space<hbm>> -> memref<8x1x8x128xf32, #tpu.memory_space<hbm>>
      %dma_start3A_287 = arith.constant 0 : i32
      %dma_start3A_288 = arith.constant 0 : i32
      %dma_start3A_289 = arith.constant 0 : i32
      %dma_start3A_290 = arith.constant 128 : i32
      %dma_start3A_291 = tpu.memref_slice %arg7[%dma_start3A_287, %dma_start3A_288, %dma_start3A_289, %dma_start3A_290] : memref<8x1x8x515xf32, #tpu.memory_space<vmem>> -> memref<8x1x8x128xf32, #tpu.memory_space<vmem>>
      tpu.enqueue_dma source(%dma_start3A_291 : memref<8x1x8x128xf32, #tpu.memory_space<vmem>>) target(%dma_start3A_286 : memref<8x1x8x128xf32, #tpu.memory_space<hbm>>) target_semaphore(%arg10 : memref<!tpu.dma_semaphore, #tpu.memory_space<semaphore_mem>>)
      %add3A_292 = arith.constant 2 : i32
      %add3A_293 = arith.addi %mul3A_2, %add3A_292 : i32
      %dma_start3A_294 = arith.constant 0 : i32
      %dma_start3A_295 = arith.constant 0 : i32
      %dma_start3A_296 = arith.constant 0 : i32
      %dma_start3A_297 = arith.constant 256 : i32
      %dma_start3A_298 = tpu.memref_slice %arg7[%dma_start3A_294, %dma_start3A_295, %dma_start3A_296, %dma_start3A_297] : memref<8x1x8x515xf32, #tpu.memory_space<vmem>> -> memref<8x1x8x128xf32, #tpu.memory_space<vmem>>
      %dma_start3A_299 = arith.constant 0 : i32
      %dma_start3A_300 = arith.constant 0 : i32
      %dma_start3A_301 = arith.constant 0 : i32
      %dma_start3A_302 = tpu.memref_slice %arg4[%scan3A_189, %dma_start3A_299, %add3A_293, %dma_start3A_300, %dma_start3A_301] : memref<200x8x128x8x128xf32, #tpu.memory_space<hbm>> -> memref<1x8x1x8x128xf32, #tpu.memory_space<hbm>>
      %dma_start3A_303 = tpu.memref_squeeze %dma_start3A_302 : memref<1x8x1x8x128xf32, #tpu.memory_space<hbm>> -> memref<8x1x8x128xf32, #tpu.memory_space<hbm>>
      %dma_start3A_304 = arith.constant 0 : i32
      %dma_start3A_305 = arith.constant 0 : i32
      %dma_start3A_306 = arith.constant 0 : i32
      %dma_start3A_307 = tpu.memref_slice %arg4[%scan3A_189, %dma_start3A_304, %add3A_293, %dma_start3A_305, %dma_start3A_306] : memref<200x8x128x8x128xf32, #tpu.memory_space<hbm>> -> memref<1x8x1x8x128xf32, #tpu.memory_space<hbm>>
      %dma_start3A_308 = tpu.memref_squeeze %dma_start3A_307 : memref<1x8x1x8x128xf32, #tpu.memory_space<hbm>> -> memref<8x1x8x128xf32, #tpu.memory_space<hbm>>
      %dma_start3A_309 = arith.constant 0 : i32
      %dma_start3A_310 = arith.constant 0 : i32
      %dma_start3A_311 = arith.constant 0 : i32
      %dma_start3A_312 = arith.constant 256 : i32
      %dma_start3A_313 = tpu.memref_slice %arg7[%dma_start3A_309, %dma_start3A_310, %dma_start3A_311, %dma_start3A_312] : memref<8x1x8x515xf32, #tpu.memory_space<vmem>> -> memref<8x1x8x128xf32, #tpu.memory_space<vmem>>
      tpu.enqueue_dma source(%dma_start3A_313 : memref<8x1x8x128xf32, #tpu.memory_space<vmem>>) target(%dma_start3A_308 : memref<8x1x8x128xf32, #tpu.memory_space<hbm>>) target_semaphore(%arg10 : memref<!tpu.dma_semaphore, #tpu.memory_space<semaphore_mem>>)
      %add3A_314 = arith.constant 3 : i32
      %add3A_315 = arith.addi %mul3A_2, %add3A_314 : i32
      %dma_start3A_316 = arith.constant 0 : i32
      %dma_start3A_317 = arith.constant 0 : i32
      %dma_start3A_318 = arith.constant 0 : i32
      %dma_start3A_319 = arith.constant 384 : i32
      %dma_start3A_320 = tpu.memref_slice %arg7[%dma_start3A_316, %dma_start3A_317, %dma_start3A_318, %dma_start3A_319] : memref<8x1x8x515xf32, #tpu.memory_space<vmem>> -> memref<8x1x8x128xf32, #tpu.memory_space<vmem>>
      %dma_start3A_321 = arith.constant 0 : i32
      %dma_start3A_322 = arith.constant 0 : i32
      %dma_start3A_323 = arith.constant 0 : i32
      %dma_start3A_324 = tpu.memref_slice %arg4[%scan3A_189, %dma_start3A_321, %add3A_315, %dma_start3A_322, %dma_start3A_323] : memref<200x8x128x8x128xf32, #tpu.memory_space<hbm>> -> memref<1x8x1x8x128xf32, #tpu.memory_space<hbm>>
      %dma_start3A_325 = tpu.memref_squeeze %dma_start3A_324 : memref<1x8x1x8x128xf32, #tpu.memory_space<hbm>> -> memref<8x1x8x128xf32, #tpu.memory_space<hbm>>
      %dma_start3A_326 = arith.constant 0 : i32
      %dma_start3A_327 = arith.constant 0 : i32
      %dma_start3A_328 = arith.constant 0 : i32
      %dma_start3A_329 = tpu.memref_slice %arg4[%scan3A_189, %dma_start3A_326, %add3A_315, %dma_start3A_327, %dma_start3A_328] : memref<200x8x128x8x128xf32, #tpu.memory_space<hbm>> -> memref<1x8x1x8x128xf32, #tpu.memory_space<hbm>>
      %dma_start3A_330 = tpu.memref_squeeze %dma_start3A_329 : memref<1x8x1x8x128xf32, #tpu.memory_space<hbm>> -> memref<8x1x8x128xf32, #tpu.memory_space<hbm>>
      %dma_start3A_331 = arith.constant 0 : i32
      %dma_start3A_332 = arith.constant 0 : i32
      %dma_start3A_333 = arith.constant 0 : i32
      %dma_start3A_334 = arith.constant 384 : i32
      %dma_start3A_335 = tpu.memref_slice %arg7[%dma_start3A_331, %dma_start3A_332, %dma_start3A_333, %dma_start3A_334] : memref<8x1x8x515xf32, #tpu.memory_space<vmem>> -> memref<8x1x8x128xf32, #tpu.memory_space<vmem>>
      tpu.enqueue_dma source(%dma_start3A_335 : memref<8x1x8x128xf32, #tpu.memory_space<vmem>>) target(%dma_start3A_330 : memref<8x1x8x128xf32, #tpu.memory_space<hbm>>) target_semaphore(%arg10 : memref<!tpu.dma_semaphore, #tpu.memory_space<semaphore_mem>>)
    }
    %scan3A_67 = arith.constant 200 : i32
    %dma_wait3A = arith.constant 0 : i32
    %dma_wait3A_68 = arith.constant 0 : i32
    %dma_wait3A_69 = tpu.memref_slice %arg6[%dma_wait3A, %dma_wait3A_68] : memref<1024x64xf32, #tpu.memory_space<vmem>> -> memref<512x64xf32, #tpu.memory_space<vmem>>
    %dma_wait3A_70 = arith.constant 0 : i32
    %dma_wait3A_71 = arith.constant 0 : i32
    %dma_wait3A_72 = tpu.memref_slice %arg3[%dma_wait3A_70, %dma_wait3A_71] : memref<1000000x64xf32, #tpu.memory_space<hbm>> -> memref<512x64xf32, #tpu.memory_space<hbm>>
    %dma_wait3A_73 = arith.constant 0 : i32
    %dma_wait3A_74 = arith.constant 0 : i32
    %dma_wait3A_75 = tpu.memref_slice %arg6[%dma_wait3A_73, %dma_wait3A_74] : memref<1024x64xf32, #tpu.memory_space<vmem>> -> memref<512x64xf32, #tpu.memory_space<vmem>>
    %dma_wait3A_76 = arith.constant 0 : i32
    %dma_wait3A_77 = arith.constant 0 : i32
    %dma_wait3A_78 = tpu.memref_slice %arg3[%dma_wait3A_76, %dma_wait3A_77] : memref<1000000x64xf32, #tpu.memory_space<hbm>> -> memref<512x64xf32, #tpu.memory_space<hbm>>
    tpu.wait_dma2 semaphore(%arg8 : memref<!tpu.dma_semaphore, #tpu.memory_space<semaphore_mem>>) src(%dma_wait3A_78 : memref<512x64xf32, #tpu.memory_space<hbm>>) dst(%dma_wait3A_75 : memref<512x64xf32, #tpu.memory_space<vmem>>)
    %dma_wait3A_79 = arith.constant 0 : i32
    %dma_wait3A_80 = arith.constant 1 : i32
    %dma_wait3A_81 = arith.constant 0 : i32
    %dma_wait3A_82 = arith.constant 0 : i32
    %dma_wait3A_83 = tpu.memref_slice %arg5[%dma_wait3A_80, %dma_wait3A_81, %dma_wait3A_82] : memref<2x4x128xi32, #tpu.memory_space<vmem>> -> memref<1x4x128xi32, #tpu.memory_space<vmem>>
    %dma_wait3A_84 = tpu.memref_squeeze %dma_wait3A_83 : memref<1x4x128xi32, #tpu.memory_space<vmem>> -> memref<4x128xi32, #tpu.memory_space<vmem>>
    %dma_wait3A_85 = arith.constant 0 : i32
    %dma_wait3A_86 = arith.constant 0 : i32
    %dma_wait3A_87 = tpu.memref_slice %arg2[%dma_wait3A_79, %dma_wait3A_85, %dma_wait3A_86] : memref<200x128x128xi32, #tpu.memory_space<hbm>> -> memref<1x4x128xi32, #tpu.memory_space<hbm>>
    %dma_wait3A_88 = tpu.memref_squeeze %dma_wait3A_87 : memref<1x4x128xi32, #tpu.memory_space<hbm>> -> memref<4x128xi32, #tpu.memory_space<hbm>>
    %dma_wait3A_89 = arith.constant 0 : i32
    %dma_wait3A_90 = arith.constant 0 : i32
    %dma_wait3A_91 = tpu.memref_slice %arg5[%dma_wait3A_80, %dma_wait3A_89, %dma_wait3A_90] : memref<2x4x128xi32, #tpu.memory_space<vmem>> -> memref<1x4x128xi32, #tpu.memory_space<vmem>>
    %dma_wait3A_92 = tpu.memref_squeeze %dma_wait3A_91 : memref<1x4x128xi32, #tpu.memory_space<vmem>> -> memref<4x128xi32, #tpu.memory_space<vmem>>
    %dma_wait3A_93 = arith.constant 0 : i32
    %dma_wait3A_94 = arith.constant 0 : i32
    %dma_wait3A_95 = tpu.memref_slice %arg2[%dma_wait3A_79, %dma_wait3A_93, %dma_wait3A_94] : memref<200x128x128xi32, #tpu.memory_space<hbm>> -> memref<1x4x128xi32, #tpu.memory_space<hbm>>
    %dma_wait3A_96 = tpu.memref_squeeze %dma_wait3A_95 : memref<1x4x128xi32, #tpu.memory_space<hbm>> -> memref<4x128xi32, #tpu.memory_space<hbm>>
    tpu.wait_dma2 semaphore(%arg12 : memref<!tpu.dma_semaphore, #tpu.memory_space<semaphore_mem>>) src(%dma_wait3A_96 : memref<4x128xi32, #tpu.memory_space<hbm>>) dst(%dma_wait3A_92 : memref<4x128xi32, #tpu.memory_space<vmem>>)
    %dma_wait3A_97 = arith.constant 0 : i32
    %dma_wait3A_98 = arith.constant 0 : i32
    %dma_wait3A_99 = arith.constant 0 : i32
    %dma_wait3A_100 = arith.constant 0 : i32
    %dma_wait3A_101 = arith.constant 0 : i32
    %dma_wait3A_102 = tpu.memref_slice %arg7[%dma_wait3A_98, %dma_wait3A_99, %dma_wait3A_100, %dma_wait3A_101] : memref<8x1x8x515xf32, #tpu.memory_space<vmem>> -> memref<8x1x8x128xf32, #tpu.memory_space<vmem>>
    %dma_wait3A_103 = arith.constant 0 : i32
    %dma_wait3A_104 = arith.constant 0 : i32
    %dma_wait3A_105 = arith.constant 0 : i32
    %dma_wait3A_106 = arith.constant 0 : i32
    %dma_wait3A_107 = tpu.memref_slice %arg4[%dma_wait3A_97, %dma_wait3A_103, %dma_wait3A_104, %dma_wait3A_105, %dma_wait3A_106] : memref<200x8x128x8x128xf32, #tpu.memory_space<hbm>> -> memref<1x8x1x8x128xf32, #tpu.memory_space<hbm>>
    %dma_wait3A_108 = tpu.memref_squeeze %dma_wait3A_107 : memref<1x8x1x8x128xf32, #tpu.memory_space<hbm>> -> memref<8x1x8x128xf32, #tpu.memory_space<hbm>>
    %dma_wait3A_109 = arith.constant 0 : i32
    %dma_wait3A_110 = arith.constant 0 : i32
    %dma_wait3A_111 = arith.constant 0 : i32
    %dma_wait3A_112 = arith.constant 0 : i32
    %dma_wait3A_113 = tpu.memref_slice %arg7[%dma_wait3A_109, %dma_wait3A_110, %dma_wait3A_111, %dma_wait3A_112] : memref<8x1x8x515xf32, #tpu.memory_space<vmem>> -> memref<8x1x8x128xf32, #tpu.memory_space<vmem>>
    %dma_wait3A_114 = arith.constant 0 : i32
    %dma_wait3A_115 = arith.constant 0 : i32
    %dma_wait3A_116 = arith.constant 0 : i32
    %dma_wait3A_117 = arith.constant 0 : i32
    %dma_wait3A_118 = tpu.memref_slice %arg4[%dma_wait3A_97, %dma_wait3A_114, %dma_wait3A_115, %dma_wait3A_116, %dma_wait3A_117] : memref<200x8x128x8x128xf32, #tpu.memory_space<hbm>> -> memref<1x8x1x8x128xf32, #tpu.memory_space<hbm>>
    %dma_wait3A_119 = tpu.memref_squeeze %dma_wait3A_118 : memref<1x8x1x8x128xf32, #tpu.memory_space<hbm>> -> memref<8x1x8x128xf32, #tpu.memory_space<hbm>>
    tpu.wait_dma2 semaphore(%arg10 : memref<!tpu.dma_semaphore, #tpu.memory_space<semaphore_mem>>) src(%dma_wait3A_119 : memref<8x1x8x128xf32, #tpu.memory_space<hbm>>) dst(%dma_wait3A_113 : memref<8x1x8x128xf32, #tpu.memory_space<vmem>>)
    %dma_wait3A_120 = arith.constant 0 : i32
    %dma_wait3A_121 = arith.constant 0 : i32
    %dma_wait3A_122 = arith.constant 0 : i32
    %dma_wait3A_123 = arith.constant 0 : i32
    %dma_wait3A_124 = arith.constant 0 : i32
    %dma_wait3A_125 = tpu.memref_slice %arg7[%dma_wait3A_121, %dma_wait3A_122, %dma_wait3A_123, %dma_wait3A_124] : memref<8x1x8x515xf32, #tpu.memory_space<vmem>> -> memref<8x1x8x128xf32, #tpu.memory_space<vmem>>
    %dma_wait3A_126 = arith.constant 0 : i32
    %dma_wait3A_127 = arith.constant 0 : i32
    %dma_wait3A_128 = arith.constant 0 : i32
    %dma_wait3A_129 = arith.constant 0 : i32
    %dma_wait3A_130 = tpu.memref_slice %arg4[%dma_wait3A_120, %dma_wait3A_126, %dma_wait3A_127, %dma_wait3A_128, %dma_wait3A_129] : memref<200x8x128x8x128xf32, #tpu.memory_space<hbm>> -> memref<1x8x1x8x128xf32, #tpu.memory_space<hbm>>
    %dma_wait3A_131 = tpu.memref_squeeze %dma_wait3A_130 : memref<1x8x1x8x128xf32, #tpu.memory_space<hbm>> -> memref<8x1x8x128xf32, #tpu.memory_space<hbm>>
    %dma_wait3A_132 = arith.constant 0 : i32
    %dma_wait3A_133 = arith.constant 0 : i32
    %dma_wait3A_134 = arith.constant 0 : i32
    %dma_wait3A_135 = arith.constant 0 : i32
    %dma_wait3A_136 = tpu.memref_slice %arg7[%dma_wait3A_132, %dma_wait3A_133, %dma_wait3A_134, %dma_wait3A_135] : memref<8x1x8x515xf32, #tpu.memory_space<vmem>> -> memref<8x1x8x128xf32, #tpu.memory_space<vmem>>
    %dma_wait3A_137 = arith.constant 0 : i32
    %dma_wait3A_138 = arith.constant 0 : i32
    %dma_wait3A_139 = arith.constant 0 : i32
    %dma_wait3A_140 = arith.constant 0 : i32
    %dma_wait3A_141 = tpu.memref_slice %arg4[%dma_wait3A_120, %dma_wait3A_137, %dma_wait3A_138, %dma_wait3A_139, %dma_wait3A_140] : memref<200x8x128x8x128xf32, #tpu.memory_space<hbm>> -> memref<1x8x1x8x128xf32, #tpu.memory_space<hbm>>
    %dma_wait3A_142 = tpu.memref_squeeze %dma_wait3A_141 : memref<1x8x1x8x128xf32, #tpu.memory_space<hbm>> -> memref<8x1x8x128xf32, #tpu.memory_space<hbm>>
    tpu.wait_dma2 semaphore(%arg10 : memref<!tpu.dma_semaphore, #tpu.memory_space<semaphore_mem>>) src(%dma_wait3A_142 : memref<8x1x8x128xf32, #tpu.memory_space<hbm>>) dst(%dma_wait3A_136 : memref<8x1x8x128xf32, #tpu.memory_space<vmem>>)
    %dma_wait3A_143 = arith.constant 0 : i32
    %dma_wait3A_144 = arith.constant 0 : i32
    %dma_wait3A_145 = arith.constant 0 : i32
    %dma_wait3A_146 = arith.constant 0 : i32
    %dma_wait3A_147 = arith.constant 0 : i32
    %dma_wait3A_148 = tpu.memref_slice %arg7[%dma_wait3A_144, %dma_wait3A_145, %dma_wait3A_146, %dma_wait3A_147] : memref<8x1x8x515xf32, #tpu.memory_space<vmem>> -> memref<8x1x8x128xf32, #tpu.memory_space<vmem>>
    %dma_wait3A_149 = arith.constant 0 : i32
    %dma_wait3A_150 = arith.constant 0 : i32
    %dma_wait3A_151 = arith.constant 0 : i32
    %dma_wait3A_152 = arith.constant 0 : i32
    %dma_wait3A_153 = tpu.memref_slice %arg4[%dma_wait3A_143, %dma_wait3A_149, %dma_wait3A_150, %dma_wait3A_151, %dma_wait3A_152] : memref<200x8x128x8x128xf32, #tpu.memory_space<hbm>> -> memref<1x8x1x8x128xf32, #tpu.memory_space<hbm>>
    %dma_wait3A_154 = tpu.memref_squeeze %dma_wait3A_153 : memref<1x8x1x8x128xf32, #tpu.memory_space<hbm>> -> memref<8x1x8x128xf32, #tpu.memory_space<hbm>>
    %dma_wait3A_155 = arith.constant 0 : i32
    %dma_wait3A_156 = arith.constant 0 : i32
    %dma_wait3A_157 = arith.constant 0 : i32
    %dma_wait3A_158 = arith.constant 0 : i32
    %dma_wait3A_159 = tpu.memref_slice %arg7[%dma_wait3A_155, %dma_wait3A_156, %dma_wait3A_157, %dma_wait3A_158] : memref<8x1x8x515xf32, #tpu.memory_space<vmem>> -> memref<8x1x8x128xf32, #tpu.memory_space<vmem>>
    %dma_wait3A_160 = arith.constant 0 : i32
    %dma_wait3A_161 = arith.constant 0 : i32
    %dma_wait3A_162 = arith.constant 0 : i32
    %dma_wait3A_163 = arith.constant 0 : i32
    %dma_wait3A_164 = tpu.memref_slice %arg4[%dma_wait3A_143, %dma_wait3A_160, %dma_wait3A_161, %dma_wait3A_162, %dma_wait3A_163] : memref<200x8x128x8x128xf32, #tpu.memory_space<hbm>> -> memref<1x8x1x8x128xf32, #tpu.memory_space<hbm>>
    %dma_wait3A_165 = tpu.memref_squeeze %dma_wait3A_164 : memref<1x8x1x8x128xf32, #tpu.memory_space<hbm>> -> memref<8x1x8x128xf32, #tpu.memory_space<hbm>>
    tpu.wait_dma2 semaphore(%arg10 : memref<!tpu.dma_semaphore, #tpu.memory_space<semaphore_mem>>) src(%dma_wait3A_165 : memref<8x1x8x128xf32, #tpu.memory_space<hbm>>) dst(%dma_wait3A_159 : memref<8x1x8x128xf32, #tpu.memory_space<vmem>>)
    %dma_wait3A_166 = arith.constant 0 : i32
    %dma_wait3A_167 = arith.constant 0 : i32
    %dma_wait3A_168 = arith.constant 0 : i32
    %dma_wait3A_169 = arith.constant 0 : i32
    %dma_wait3A_170 = arith.constant 0 : i32
    %dma_wait3A_171 = tpu.memref_slice %arg7[%dma_wait3A_167, %dma_wait3A_168, %dma_wait3A_169, %dma_wait3A_170] : memref<8x1x8x515xf32, #tpu.memory_space<vmem>> -> memref<8x1x8x128xf32, #tpu.memory_space<vmem>>
    %dma_wait3A_172 = arith.constant 0 : i32
    %dma_wait3A_173 = arith.constant 0 : i32
    %dma_wait3A_174 = arith.constant 0 : i32
    %dma_wait3A_175 = arith.constant 0 : i32
    %dma_wait3A_176 = tpu.memref_slice %arg4[%dma_wait3A_166, %dma_wait3A_172, %dma_wait3A_173, %dma_wait3A_174, %dma_wait3A_175] : memref<200x8x128x8x128xf32, #tpu.memory_space<hbm>> -> memref<1x8x1x8x128xf32, #tpu.memory_space<hbm>>
    %dma_wait3A_177 = tpu.memref_squeeze %dma_wait3A_176 : memref<1x8x1x8x128xf32, #tpu.memory_space<hbm>> -> memref<8x1x8x128xf32, #tpu.memory_space<hbm>>
    %dma_wait3A_178 = arith.constant 0 : i32
    %dma_wait3A_179 = arith.constant 0 : i32
    %dma_wait3A_180 = arith.constant 0 : i32
    %dma_wait3A_181 = arith.constant 0 : i32
    %dma_wait3A_182 = tpu.memref_slice %arg7[%dma_wait3A_178, %dma_wait3A_179, %dma_wait3A_180, %dma_wait3A_181] : memref<8x1x8x515xf32, #tpu.memory_space<vmem>> -> memref<8x1x8x128xf32, #tpu.memory_space<vmem>>
    %dma_wait3A_183 = arith.constant 0 : i32
    %dma_wait3A_184 = arith.constant 0 : i32
    %dma_wait3A_185 = arith.constant 0 : i32
    %dma_wait3A_186 = arith.constant 0 : i32
    %dma_wait3A_187 = tpu.memref_slice %arg4[%dma_wait3A_166, %dma_wait3A_183, %dma_wait3A_184, %dma_wait3A_185, %dma_wait3A_186] : memref<200x8x128x8x128xf32, #tpu.memory_space<hbm>> -> memref<1x8x1x8x128xf32, #tpu.memory_space<hbm>>
    %dma_wait3A_188 = tpu.memref_squeeze %dma_wait3A_187 : memref<1x8x1x8x128xf32, #tpu.memory_space<hbm>> -> memref<8x1x8x128xf32, #tpu.memory_space<hbm>>
    tpu.wait_dma2 semaphore(%arg10 : memref<!tpu.dma_semaphore, #tpu.memory_space<semaphore_mem>>) src(%dma_wait3A_188 : memref<8x1x8x128xf32, #tpu.memory_space<hbm>>) dst(%dma_wait3A_182 : memref<8x1x8x128xf32, #tpu.memory_space<vmem>>)
    return
  }
}

</mosaic_0001>

<sc_bundles>
// kernel: kernel.3.cloned.1.call-start
scs
__scs_entry_jumppad:
0x0: {  	(pc) =	sbr.rel $0x88, $3  }
0x1: {  	(tag) =	ssettag $0x0;
	lr =	simm.s32 $0x1  }
0x2: {  	[smem:$0x3F9F] =	sst lr;
	_ =	strace $0xD0000000  }
0x3: {  	_ = 	snop  }
0x4: {  	_ = 	snop  }
0x5: {  	_ = 	snop  }
0x6: {  	_ = 	snop  }
0x7: {  	_ = 	snop  }
__scs_overlays_trampoline_lowered:
0x8: {  	[smem:$0x3FAE] =	sst s0  }
0x9: {  	[smem:$0x3FAF] =	sst s1  }
0xa: {  	[smem:$0x3FB0] =	sst s2  }
0xb: {  	[smem:$0x3FB1] =	sst s3  }
0xc: {  	[smem:$0x3FB2] =	sst s4  }
0xd: {  	[smem:$0x3FB3] =	sst s5  }
0xe: {  	[smem:$0x3FB4] =	sst s6  }
0xf: {  	[smem:$0x3FB5] =	sst s7  }
0x10: {  	[smem:$0x3FB6] =	sst s8  }
0x11: {  	[smem:$0x3FB7] =	sst s9;
	s0 =	simm.s32 @!p0 $0x0  }
0x12: {  	s1 =	sld [smem:$0x3F9D];
	s0 =	simm.s32 @p0 $0x1  }
0x13: {  	[smem:$0x3FB8] =	sst s0;
	s0 =	simm.s32 @!p1 $0x0  }
0x14: {  	s2 =	sld [smem:$0x3F9C];
	s0 =	simm.s32 @p1 $0x1  }
0x15: {  	[smem:$0x3FB9] =	sst s0;
	s0 =	simm.s32 @!p2 $0x0  }
0x16: {  	s3 =	sld [smem:$0x3FDB];
	s0 =	simm.s32 @p2 $0x1  }
0x17: {  	s4 =	simm.s32 $0x1BF5;
	[smem:$0x3FBB] =	sst s0  }
0x18: {  	s0 =	sld [smem:$0x3F9E];
	_ =	swait.ge [sflag:s4], $0x0  }
0x19: {  	s7 =	sld [smem:$0x3F9F]  }
0x1a: {  	s8 =	sadd.s32 $0xFFFFE003, lr  }
0x1b: {  	s9 =	sadd.s32 $0xFFFFFEF7, lr;
	s5 =	simm.s32 $0xFFFFFFFF;
	p2 =	slt.u32 s8, $0xFFFFF086  }
0x1c: {  	p1 =	slt.u32 s9, $0xF7A;
	s5 =	simm.s32 @!p2 $0x0  }
0x1d: {  	s5 =	simm.s32 @p1 $0x1;
	p0 =	seq.s32 s7, s2  }
0x1e: {  	s7 =	smul.u32 @!p0 $0xF7A, s2;
	p2 =	seq.s32 @!p0 s5, $0x0  }
0x1f: {  	s9 =	smul.u32 $0xF7A, s1;
	s8 =	simm.s32 @!p0 $0x1BF5;
	p2 =	por !p2, p0  }
0x20: {  	[sflag:s8] =	ssyncset.s32 @!p0 $0xFFFFF086;
	s6 =	sadd.s32 @!p0 s3, s7;
	s7 =	simm.s32 @!p0 $0x108  }
0x21: {  	s3 =	sadd.s32 s3, s9;
	s6 =	sadd.s32 @!p0 $0x88, s6;
	s7 =	simm.s32 @p2 $0x1082  }
0x22: {  	[simem:s7], [sflag:s8] =	dma.local @!p0 [hbm:s6], $0xF7A  }
0x23: {  	s9 =	sor.u32 $0xD0000000, s2;
	s6 =	simm.s32 $0x108;
	_ =	swait.ge @!p0 [sflag:s8], $0x0  }
0x24: {  	s3 =	sadd.s32 $0x88, s3;
	s6 =	simm.s32 @!p1 $0x1082;
	[sflag:s4] =	ssyncset.s32 $0xFFFFF086  }
0x25: {  	[simem:s6], [sflag:s4] =	dma.local [hbm:s3], $0xF7A  }
0x26: {  	[smem:$0x3F9F] =	sst s1;
	(tag) =	ssettag s2;
	_ =	strace s9  }
0x27: {  	s1 =	sld [smem:$0x3FAF]  }
0x28: {  	s2 =	sld [smem:$0x3FB0]  }
0x29: {  	s4 =	sld [smem:$0x3FB2]  }
0x2a: {  	p0 =	seq.s32 s5, $0x0;
	s5 =	sld [smem:$0x3FB3]  }
0x2b: {  	s6 =	sld [smem:$0x3FB4]  }
0x2c: {  	s7 =	sld [smem:$0x3FB5]  }
0x2d: {  	s3 =	simm.s32 $0x108;
	s8 =	sld [smem:$0x3FB6]  }
0x2e: {  	s3 =	simm.s32 @!p0 $0x1082;
	s9 =	sld [smem:$0x3FB7]  }
0x2f: {  	lr =	sadd.s32 s0, s3;
	s0 =	sld [smem:$0x3FAE]  }
0x30: {  	s3 =	sld [smem:$0x3FB1]  }
0x31: {  	[smem:$0x3FBA] =	sst s10  }
0x32: {  	s10 =	sld [smem:$0x3FB8];
	_ =	sdelay $0x3  }
0x33: {  	p0 =	seq.s32 s10, $0x1;
	s10 =	sld [smem:$0x3FBA];
	_ =	sdelay $0x3  }
0x34: {  	[smem:$0x3FBA] =	sst s10  }
0x35: {  	s10 =	sld [smem:$0x3FB9];
	_ =	sdelay $0x3  }
0x36: {  	p1 =	seq.s32 s10, $0x1;
	s10 =	sld [smem:$0x3FBA];
	_ =	sdelay $0x3  }
0x37: {  	[smem:$0x3FBA] =	sst s10  }
0x38: {  	s10 =	sld [smem:$0x3FBB]  }
0x39: {  	_ = 	snop;
	(pc) =	sbr.ind lr, $3  }
0x3a: {  	_ = 	snop  }
0x3b: {  	_ = 	snop  }
0x3c: {  	p2 =	seq.s32 s10, $0x1;
	s10 =	sld [smem:$0x3FBA]  }
0x3d: {  	_ =	shalt  }
0x3e: {  	_ =	shalt  }
0x3f: {  	_ =	shalt  }
0x40: {  	_ =	shalt  }
0x41: {  	_ =	shalt  }
0x42: {  	_ =	shalt  }
0x43: {  	_ =	shalt  }
0x44: {  	_ =	shalt  }
0x45: {  	_ =	shalt  }
0x46: {  	_ =	shalt  }
0x47: {  	_ =	shalt  }
0x48: {  	_ =	shalt  }
0x49: {  	_ =	shalt  }
0x4a: {  	_ =	shalt  }
0x4b: {  	_ =	shalt  }
0x4c: {  	_ =	shalt  }
0x4d: {  	_ =	shalt  }
0x4e: {  	_ =	shalt  }
0x4f: {  	_ =	shalt  }
0x50: {  	_ =	shalt  }
0x51: {  	_ =	shalt  }
0x52: {  	_ =	shalt  }
0x53: {  	_ =	shalt  }
0x54: {  	_ =	shalt  }
0x55: {  	_ =	shalt  }
0x56: {  	_ =	shalt  }
0x57: {  	_ =	shalt  }
0x58: {  	_ =	shalt  }
0x59: {  	_ =	shalt  }
0x5a: {  	_ =	shalt  }
0x5b: {  	_ =	shalt  }
0x5c: {  	_ =	shalt  }
0x5d: {  	_ =	shalt  }
0x5e: {  	_ =	shalt  }
0x5f: {  	_ =	shalt  }
0x60: {  	_ =	shalt  }
0x61: {  	_ =	shalt  }
0x62: {  	_ =	shalt  }
0x63: {  	_ =	shalt  }
0x64: {  	_ =	shalt  }
0x65: {  	_ =	shalt  }
0x66: {  	_ =	shalt  }
0x67: {  	_ =	shalt  }
0x68: {  	_ =	shalt  }
0x69: {  	_ =	shalt  }
0x6a: {  	_ =	shalt  }
0x6b: {  	_ =	shalt  }
0x6c: {  	_ =	shalt  }
0x6d: {  	_ =	shalt  }
0x6e: {  	_ =	shalt  }
0x6f: {  	_ =	shalt  }
0x70: {  	_ =	shalt  }
0x71: {  	_ =	shalt  }
0x72: {  	_ =	shalt  }
0x73: {  	_ =	shalt  }
0x74: {  	_ =	shalt  }
0x75: {  	_ =	shalt  }
0x76: {  	_ =	shalt  }
0x77: {  	_ =	shalt  }
0x78: {  	_ =	shalt  }
0x79: {  	_ =	shalt  }
0x7a: {  	_ =	shalt  }
0x7b: {  	_ =	shalt  }
0x7c: {  	_ =	shalt  }
0x7d: {  	_ =	shalt  }
0x7e: {  	_ =	shalt  }
0x7f: {  	_ =	shalt  }
0x80: {  	_ =	shalt  }
0x81: {  	_ =	shalt  }
0x82: {  	_ =	shalt  }
0x83: {  	_ =	shalt  }
0x84: {  	_ =	shalt  }
0x85: {  	_ =	shalt  }
0x86: {  	_ =	shalt  }
0x87: {  	_ =	shalt  }
.Lfunc_end0:
.L_simem_size_0:
called_computation_lowered:
.L_overlay_start_0:
0x88: {  	s2 =	sld [smem:$0x3FD9]  }
0x89: {  	s3 =	sld [smem:$0x3FFE];
	_ =	sdelay $0x1  }
0x8a: {  	s1 =	srdreg.scid  }
0x8b: {  	s0 =	sand.u32 $0x1, s1  }
0x8c: {  	s17 =	sshll.u32 s0, $0xA;
	s2 =	sadd.s32 s3, s2  }
0x8d: {  	s2 =	sadd.s32 s2, s17  }
0x8e: {  	[smem:$0x3FC6] =	sst s2  }
0x8f: {  	_ = 	snop  }
0x90: {  	s2 =	sld [smem:$0x3FD0];
	(tm) =	ssettm $0x1  }
0x91: {  	s18 =	sld [smem:$0x3FFB];
	_ =	sdelay $0x3  }
0x92: {  	_ =	strace s18  }
0x93: {  	s3 =	sld [smem:$0x3FFC];
	_ =	sdelay $0x3  }
0x94: {  	_ =	strace s3  }
0x95: {  	s3 =	sld [smem:$0x3FFD];
	_ =	sdelay $0x3  }
0x96: {  	_ =	strace s3  }
0x97: {  	_ =	strace $0x8FFFFFFF  }
0x98: {  	s19 =	sld [smem:$0x3FDB];
	_ =	sdelay $0x1  }
0x99: {  	s4 =	simm.s32 $_scs_section_size  }
0x9a: {  	s5 =	simm.s32 $_size__tile_overlayer_lowered;
	s6 =	simm.s32 $_tile_overlayer_lowered  }
0x9b: {  	s22 =	simm.s32 $0x1BFF;
	s21 =	sshll.u32 s6, $0x1;
	s3 =	sadd.s32 s4, s19  }
0x9c: {  	s7 =	simm.s32 $0x0;
	s20 =	sshll.u32 s5, $0x1;
	s5 =	sadd.s32 s21, s3  }
0x9d: {  	[timem:s7], [sflag:s22] =	dma.local [hbm:s5], s20  }
0x9e: {  	_ =	swait.ge [sflag:s22], s20  }
0x9f: {  	s4 =	ssub.s32 $0x0, s20;
	[sflag:s22] =	ssyncset.done $0x0  }
0xa0: {  	[sflag:s22] =	ssyncadd.s32 s4;
	_ =	sdelay $0x1  }
0xa1: {  	s23 =	simm.s32 $0x1B8B  }
0xa2: {  	_ =	swait.ge [sflag:s23], $0x1  }
0xa3: {  	[sflag:s23] =	ssyncset.done $0x0  }
0xa4: {  	s25 =	simm.s32 $0x1B8E;
	s24 =	sld [smem:$0x3FFE];
	[sflag:s23] =	ssyncadd.s32 $0xFFFFFFFF  }
0xa5: {  	s26 =	simm.s32 $execute0_lowered;
	[smem:$0x3FD2] =	sst s25  }
0xa6: {  	s5 =	sshll.u32 s26, $0x1;
	_ =	strace $0x80000046;
	[dreg:$0x1] =	wrdreg $0xFFFFFFFF  }
0xa7: {  	s28 =	simm.s32 $_size_execute0_lowered;
	s3 =	sadd.s32 s3, s5;
	[dreg:$0x0] =	wrdreg $0x0  }
0xa8: {  	s5 =	sshll.u32 s28, $0x1;
	[dreg:$0x2] =	wrdreg s3  }
0xa9: {  	[dreg:$0x3] =	wrdreg s5  }
0xaa: {  	[dreg:$0x4] =	wrdreg $0xC0  }
0xab: {  	_ =	task [dreg:s7], $0x5FFFF  }
0xac: {  	[dreg:$0x1] =	wrdreg $0xFFFFFFFF  }
0xad: {  	[dreg:$0x0] =	wrdreg $0x60  }
0xae: {  	[dreg:$0x2] =	wrdreg s24  }
0xaf: {  	[dreg:$0x3] =	wrdreg s2  }
0xb0: {  	[dreg:$0x4] =	wrdreg $0x9  }
0xb1: {  	_ =	task.clear_ibuf [dreg:s7], $0x5FFFF;
	_ =	strace $0x90000046  }
0xb2: {  	s29 =	simm.s32 $0x9;
	_ =	strace $0x80000048  }
0xb3: {  	_ =	swait.ge [sflag:s29], $0x1  }
0xb4: {  	[sflag:s29] =	ssyncadd.s32 $0xFFFFFFFF  }
0xb5: {  	_ =	strace $0x90000048  }
0xb6: {  	_ =	sfence  }
0xb7: {  	s30 =	sld [smem:$0x0];
	_ =	sdelay $0x2  }
0xb8: {  	s31 =	sshll.u32 s1, $0xD;
	s1 =	sshrl.u32 s1, $0x2  }
0xb9: {  	s3 =	sand.u32 $0x4000, s31;
	s1 =	sadd.s32 s1, s30  }
0xba: {  	s0 =	sor.u32 s3, s0;
	s1 =	sshll.u32 s1, $0x11  }
0xbb: {  	s0 =	sor.u32 s1, s0  }
0xbc: {  	s0 =	sadd.s32 $0x8F2B, s0  }
0xbd: {  	[sflag:s0] =	ssyncadd.remote.s32 $0x1  }
0xbe: {  	_ =	sfence.sel $0xFFFF  }
0xbf: {  	[dreg:$0x0] =	wrdreg $0xFFFFFFFF;
	(pc) =	sbr.abs _section_cstart, $3  }
0xc0: {  	[dreg:$0x1] =	wrdreg $0xFFFFFFFF  }
0xc1: {  	_ =	task.clear_ibuf [dreg:s7], $0x2FFFF;
	_ =	strace $0x9FFFFFFF  }
0xc2: {  	(tm) =	ssettm $0x7FFFFFFF  }
0xc3: {  	_ =	shalt  }
tec
execute0_lowered:
.L_overlay_start_1:
0x0: {  	(tag) =	ssettag $0x1  }
0x1: {  	s0 =	rddreg [dreg:$0x0]  }
0x2: {  	s2 =	rddreg [dreg:$0x1];
	s1 =	srdreg.scid;
	v0 =	vlaneseq.u32  }
0x3: {  	s3 =	simm.s32 $0x0;
	s4 =	stileid.u32;
	s15 =	simm.s32 $0x200;
	v0 =	vmul.u32 $0x208, v0  }
0x4: {  	v1 =	vimm.s32 $0x0;
	vm0 =	vcmask $0x300;
	s16 =	simm.s32 $0x80;
	s18 =	simm.s32 $0x2400;
	s19 =	simm.s32 $0x100  }
0x5: {  	s20 =	simm.s32 $0x4400;
	s21 =	simm.s32 $0x180;
	s22 =	simm.s32 $0x6400;
	v1 =	vsel vm0, $0x3, v1;
	v56 =	vadd.s32 $0x2080, v0  }
0x6: {  	s23 =	simm.s32 $0x1;
	s24 =	simm.s32 $0x4;
	s25 =	simm.s32 $0x2;
	v62 =	vadd.s32 $0x4100, v0;
	v4 =	vadd.s32 $0x6180, v0;
	v8 =	vor.u32 $0x1, v0  }
0x7: {  	s26 =	simm.s32 $0x3;
	s28 =	simm.s32 $0x10400;
	[smem:$0x7FF] =	sst s3;
	v6 =	vadd.s32 $0x2081, v0;
	v41 =	vadd.s32 $0x4101, v0;
	v12 =	vor.u32 $0x2, v0  }
0x8: {  	s29 =	simm.s32 $0x5;
	s1 =	sand.u32 $0x1, s1;
	_ =	strace $0x80000047;
	v10 =	vadd.s32 $0x2082, v0;
	v63 =	vadd.s32 $0x4102, v0;
	[tilespmem:$0x1FF80] =	vst v4;
	v4 =	vadd.s32 $0x6181, v0  }
0x9: {  	s4 =	sshll.u32 s4, $0x3;
	s5 =	sshll.u32 s1, $0x2;
	s1 =	ssub.s32 $0x2, s1;
	v16 =	vor.u32 $0x3, v0;
	v14 =	vadd.s32 $0x2083, v0;
	[tilespmem:$0x1FF90] =	vst v4;
	v4 =	vadd.s32 $0x6182, v0  }
0xa: {  	s6 =	sor.u32 s5, s4;
	s4 =	sadd.s32 $0x400, s0;
	s7 =	sshrl.u32 s1, $0x1;
	v15 =	vadd.s32 $0x4103, v0;
	v20 =	vor.u32 $0x4, v0;
	[tilespmem:$0x1FFA0] =	vst v4;
	v4 =	vadd.s32 $0x6183, v0  }
0xb: {  	s5 =	sadd.s32 $0x64400, s0;
	v18 =	vadd.s32 $0x2084, v0;
	v19 =	vadd.s32 $0x4104, v0;
	s8 =	sshll.u32 s6, $0x4;
	s30 =	ssub.s32 s1, s7;
	[tilespmem:$0x1FFB0] =	vst v4;
	v4 =	vadd.s32 $0x6184, v0  }
0xc: {  	v21 =	vor.u32 $0x5, v0;
	v22 =	vadd.s32 $0x2085, v0;
	s7 =	sshll.u32 s6, $0x7;
	s9 =	sshll.u32 s6, $0xA;
	s31 =	sadd.s32 s4, s8;
	[tilespmem:$0x1FFC0] =	vst v4;
	v4 =	vadd.s32 $0x6185, v0  }
0xd: {  	v23 =	vadd.s32 $0x4105, v0;
	v28 =	vor.u32 $0x6, v0;
	s10 =	sor.u32 $0x400, s9;
	s0 =	smax.u32 s30, $0x1;
	[dreg:$0x3] =	wrdreg s31;
	[tilespmem:$0x1FFD0] =	vst v4;
	v4 =	vadd.s32 $0x6186, v0  }
0xe: {  	v11 =	vadd.s32 $0x2086, v0;
	v30 =	vadd.s32 $0x4106, v0;
	s11 =	sor.u32 $0x800, s9;
	s1 =	sadd.s32 $0x800, s31;
	[dreg:$0x5] =	wrdreg s0;
	[tilespmem:$0x1FFE0] =	vst v4;
	v4 =	vadd.s32 $0x6187, v0  }
0xf: {  	v32 =	vor.u32 $0x7, v0;
	v7 =	vadd.s32 $0x2087, v0;
	v29 =	vadd.s32 $0x4107, v0;
	s12 =	sor.u32 $0xC00, s9;
	[dreg:$0x4] =	wrdreg s1;
	s1 =	simm.s32 $0x0;
	[tilespmem:$0x1FFF0] =	vst v4  }
.LBB2_1:
0x10: {  	[dreg:$0x6] =	wrdreg s1  }
0x11: {  	s0 =	rddreg [dreg:$0x3];
	s17 =	simm.s32 $0x6  }
0x12: {  	[tilespmem:s3], [sflag:$0x6] =	stream.linear.gather [hbm4b:s0+s3], $0x200, $0x38;
	[tilespmem:$0x18600] =	vst v63  }
0x13: {  	_ =	swait.ge [sflag:s17], $0x200  }
0x14: {  	[sflag:s17] =	ssyncset.done $0x0  }
0x15: {  	s30 =	rddreg [dreg:$0x4];
	[sflag:s17] =	ssyncadd.s32 $0xFFFFFE00  }
0x16: {  	[tilespmem:s15], [sflag:$0x5] =	stream.linear.gather [hbm4b:s30+s3], $0x200, $0x38;
	[tilespmem:$0x18600] =	vst v63  }
0x17: {  	s31 =	simm.s32 $0x400  }
0x18: {  	[tilespmem:s31], [sflag:$0x1] =	stream.indirect.gather [hbm4b:s5+s16], $0x40, s3, s16, $0xb8;
	[tilespmem:$0x18600] =	vst v63  }
0x19: {  	_ = 	snop  }
0x1a: {  	[tilespmem:s18], [sflag:$0x1] =	stream.indirect.gather [hbm4b:s5+s16], $0x40, s16, s16, $0xb8;
	[tilespmem:$0x18600] =	vst v63  }
0x1b: {  	_ = 	snop  }
0x1c: {  	[tilespmem:s20], [sflag:$0x1] =	stream.indirect.gather [hbm4b:s5+s16], $0x40, s19, s16, $0xb8;
	[tilespmem:$0x18600] =	vst v63  }
0x1d: {  	p0 =	por $0x0, $0x0;
	s14 =	simm.s32 $0x0  }
0x1e: {  	[tilespmem:s22], [sflag:$0x1] =	stream.indirect.gather [hbm4b:s5+s16], $0x40, s21, s16, $0xb8;
	[tilespmem:$0x18600] =	vst v63  }
.LBB2_2:
0x1f: {  	s1 =	sand.u32 $0x1, s14  }
0x20: {  	p1 =	seq.s32 s1, $0x0  }
.Ltmp0:
0x21: {  	_ = 	snop;
	(pc) =	sbr.rel @p1 .LBB2_4-.Ltmp0, $4  }
0x22: {  	s0 =	smin.u32 s14, $0xC5  }
0x23: {  	s0 =	sadd.s32 $0x2, s0  }
0x24: {  	s0 =	sshll.u32 s0, $0xE  }
0x25: {  	s0 =	sor.u32 s7, s0  }
.Ltmp1:
0x26: {  	(pc) =	sbr.rel .LBB2_5-.Ltmp1, $3  }
0x27: {  	_ =	sdelay $0x1  }
0x28: {  	s0 =	sshrl.u32 s0, $0x3  }
0x29: {  	s0 =	sadd.s32 s4, s0  }
.LBB2_4:
0x2a: {  	_ =	swait.ge [sflag:s29], $0x200  }
0x2b: {  	[sflag:s29] =	ssyncset.done $0x0  }
0x2c: {  	s1 =	simm.s32 $0x8400;
	[sflag:s29] =	ssyncadd.s32 $0xFFFFFE00  }
0x2d: {  	[tilespmem:s1], [sflag:$0x2] =	stream.indirect.gather [hbm4b:s5+s16], $0x40, s15, s16, $0xb8;
	[tilespmem:$0x18600] =	vst v63  }
0x2e: {  	s8 =	simm.s32 $0x280;
	s6 =	simm.s32 $0xA400  }
0x2f: {  	[tilespmem:s6], [sflag:$0x2] =	stream.indirect.gather [hbm4b:s5+s16], $0x40, s8, s16, $0xb8;
	[tilespmem:$0x18600] =	vst v63  }
0x30: {  	s13 =	simm.s32 $0x300;
	s17 =	simm.s32 $0xC400  }
0x31: {  	[tilespmem:s17], [sflag:$0x2] =	stream.indirect.gather [hbm4b:s5+s16], $0x40, s13, s16, $0xb8;
	[tilespmem:$0x18600] =	vst v63  }
0x32: {  	s30 =	simm.s32 $0x380;
	s31 =	simm.s32 $0xE400  }
0x33: {  	[tilespmem:s31], [sflag:$0x2] =	stream.indirect.gather [hbm4b:s5+s16], $0x40, s30, s16, $0xb8;
	[tilespmem:$0x18600] =	vst v63  }
.Ltmp2:
0x34: {  	_ = 	snop;
	(pc) =	sbr.rel @!p1 .LBB2_5-.Ltmp2, $4  }
0x35: {  	_ =	swait.ge [sflag:s23], $0x8000  }
0x36: {  	s0 =	sshrl.u32 s0, $0x3;
	[sflag:s23] =	ssyncset.done $0x0  }
0x37: {  	s0 =	sadd.s32 s4, s0;
	[sflag:s23] =	ssyncadd.s32 $0xFFFF8000  }
0x38: {  	[tilespmem:s3], [sflag:$0x4] =	stream.linear.gather [hbm4b:s0+s3], $0x200, $0x38;
	[tilespmem:$0x18600] =	vst v63  }
0x39: {  	p1 =	seq.s32 s14, $0x0  }
.Ltmp3:
0x3a: {  	_ = 	snop;
	(pc) =	sbr.rel @!p1 .LBB2_7-.Ltmp3, $4  }
.Ltmp4:
0x3b: {  	_ = 	snop;
	(pc) =	sbr.rel @p1 .LBB2_8-.Ltmp4, $4  }
0x3c: {  	_ = 	snop  }
0x3d: {  	_ = 	snop  }
0x3e: {  	_ = 	snop  }
0x3f: {  	_ = 	snop  }
.LBB2_5:
0x40: {  	_ =	swait.ge [sflag:s24], $0x200  }
0x41: {  	[sflag:s24] =	ssyncset.done $0x0  }
0x42: {  	s1 =	simm.s32 $0x400;
	[sflag:s24] =	ssyncadd.s32 $0xFFFFFE00  }
0x43: {  	[tilespmem:s1], [sflag:$0x1] =	stream.indirect.gather [hbm4b:s5+s16], $0x40, s3, s16, $0xb8;
	[tilespmem:$0x18600] =	vst v63  }
0x44: {  	_ = 	snop  }
0x45: {  	[tilespmem:s18], [sflag:$0x1] =	stream.indirect.gather [hbm4b:s5+s16], $0x40, s16, s16, $0xb8;
	[tilespmem:$0x18600] =	vst v63  }
0x46: {  	_ = 	snop  }
0x47: {  	[tilespmem:s20], [sflag:$0x1] =	stream.indirect.gather [hbm4b:s5+s16], $0x40, s19, s16, $0xb8;
	[tilespmem:$0x18600] =	vst v63  }
0x48: {  	_ = 	snop  }
0x49: {  	[tilespmem:s22], [sflag:$0x1] =	stream.indirect.gather [hbm4b:s5+s16], $0x40, s21, s16, $0xb8;
	[tilespmem:$0x18600] =	vst v63  }
0x4a: {  	_ =	swait.ge [sflag:s25], $0x8000  }
0x4b: {  	[sflag:s25] =	ssyncset.done $0x0  }
0x4c: {  	[sflag:s25] =	ssyncadd.s32 $0xFFFF8000  }
0x4d: {  	[tilespmem:s15], [sflag:$0x5] =	stream.linear.gather [hbm4b:s0+s3], $0x200, $0x38;
	[tilespmem:$0x18600] =	vst v63  }
.LBB2_7:
0x4e: {  	_ =	swait.ge [sflag:s26], $0x2000  }
0x4f: {  	[sflag:s26] =	ssyncset.done $0x0  }
0x50: {  	[sflag:s26] =	ssyncadd.s32 $0xFFFFE000  }
0x51: {  	_ =	swait.ge [sflag:s26], $0x2000  }
0x52: {  	[sflag:s26] =	ssyncset.done $0x0  }
0x53: {  	[sflag:s26] =	ssyncadd.s32 $0xFFFFE000  }
0x54: {  	_ =	swait.ge [sflag:s26], $0x2000  }
0x55: {  	[sflag:s26] =	ssyncset.done $0x0  }
0x56: {  	[sflag:s26] =	ssyncadd.s32 $0xFFFFE000  }
0x57: {  	_ =	swait.ge [sflag:s26], $0x2000  }
0x58: {  	[sflag:s26] =	ssyncset.done $0x0  }
0x59: {  	[sflag:s26] =	ssyncadd.s32 $0xFFFFE000  }
.LBB2_8:
0x5a: {  	s0 =	simm.s32 $0x0;
	s1 =	simm.s32 $0x1  }
0x5b: {  	s6 =	simm.s32 $0x3;
	s8 =	simm.s32 $0x4;
	s13 =	simm.s32 $0x5;
	v33 =	vmov s0;
	v34 =	vmov s1  }
0x5c: {  	s17 =	simm.s32 $0x6;
	s1 =	simm.s32 $0x2;
	v36 =	vmov s6;
	v37 =	vmov s8;
	v38 =	vmov s13  }
0x5d: {  	s8 =	simm.s32 $0x1;
	v39 =	vmov s17;
	s6 =	simm.s32 $0x7;
	v35 =	vmov s1;
	v33 =	vshrl.u32 v33, $0x3  }
0x5e: {  	s8 =	simm.s32 @!p0 $0x0;
	v34 =	vshrl.u32 v34, $0x3;
	v40 =	vmov s6;
	v36 =	vshrl.u32 v36, $0x3  }
0x5f: {  	v37 =	vshrl.u32 v37, $0x3;
	v38 =	vshrl.u32 v38, $0x3;
	s8 =	sshll.u32 s8, $0xF;
	v40 =	vshrl.u32 v40, $0x3  }
0x60: {  	v42 =	vshrl.u32 v39, $0x3;
	v33 =	vshll.u32 v33, v1;
	s30 =	sor.u32 $0x500, s8;
	v40 =	vshll.u32 v40, v1  }
0x61: {  	v35 =	vshrl.u32 v35, $0x3;
	v34 =	vshll.u32 v34, v1;
	v55 =	vld [tilespmem:s30+$0xC0];
	v2 =	vbroadcast v40, $0x0  }
0x62: {  	v36 =	vshll.u32 v36, v1;
	v44 =	vshll.u32 v37, v1;
	v31 =	vbroadcast v33, $0x0;
	v43 =	vld [tilespmem:s30+$0xFFFFFF00]  }
0x63: {  	v35 =	vshll.u32 v35, v1;
	v3 =	vbroadcast v34, $0x0;
	v45 =	vld [tilespmem:s30+$0xFFFFFF40];
	v46 =	vadd.s32 v32, v2  }
0x64: {  	v57 =	vshll.u32 v38, v1;
	v47 =	vld [tilespmem:s30+$0xFFFFFF80];
	v37 =	vbroadcast v35, $0x0;
	v58 =	vadd.s32 v0, v31  }
0x65: {  	v42 =	vshll.u32 v42, v1;
	v36 =	vbroadcast v36, $0x0;
	v49 =	vld [tilespmem:s30+$0xFFFFFFC0];
	v48 =	vadd.s32 v8, v3  }
0x66: {  	v51 =	vld [tilespmem:s30+$0x0];
	v35 =	vbroadcast v44, $0x0;
	v50 =	vadd.s32 v12, v37;
	v59 =	vmul.f32 $8.000000000e+00, v55  }
0x67: {  	v33 =	vbroadcast v57, $0x0;
	v53 =	vld [tilespmem:s30+$0x40];
	v52 =	vadd.s32 v16, v36;
	v43 =	vmul.f32 $8.000000000e+00, v43  }
0x68: {  	v34 =	vbroadcast v42, $0x0;
	v54 =	vadd.s32 v20, v35;
	v45 =	vmul.f32 $8.000000000e+00, v45;
	v55 =	vld [tilespmem:s30+$0x80];
	[tilespmem:v46+s28+$0x0] =	vst.idx.msk $0xffff, v59  }
0x69: {  	s13 =	simm.s32 $0x8;
	v61 =	vmul.f32 $8.000000000e+00, v47;
	[tilespmem:v58+s28+$0x0] =	vst.idx.msk $0xffff, v43;
	v43 =	vadd.s32 v21, v33;
	v44 =	vld [tilespmem:s30+$0xD0]  }
0x6a: {  	v60 =	vmov s13;
	v40 =	vmul.f32 $8.000000000e+00, v49;
	v47 =	vadd.s32 v28, v34;
	[tilespmem:v48+s28+$0x0] =	vst.idx.msk $0xffff, v45;
	v46 =	vld [tilespmem:s30+$0xFFFFFF10]  }
0x6b: {  	v42 =	vshrl.u32 v60, $0x3;
	v60 =	vmul.f32 $8.000000000e+00, v51;
	[tilespmem:v50+s28+$0x0] =	vst.idx.msk $0xffff, v61;
	v50 =	vadd.s32 v7, v2;
	v49 =	vld [tilespmem:s30+$0xFFFFFF50]  }
0x6c: {  	v5 =	vmov v56;
	v56 =	vadd.s32 v56, v31;
	[tilespmem:v52+s28+$0x0] =	vst.idx.msk $0xffff, v40;
	v61 =	vmul.f32 $8.000000000e+00, v53;
	v57 =	vld [tilespmem:s30+$0xFFFFFF90]  }
0x6d: {  	v53 =	vadd.s32 v6, v3;
	[tilespmem:v54+s28+$0x0] =	vst.idx.msk $0xffff, v60;
	v58 =	vld [tilespmem:s30+$0xFFFFFFD0];
	v38 =	vmul.f32 $8.000000000e+00, v55  }
0x6e: {  	v59 =	vld [tilespmem:s30+$0x10];
	v55 =	vadd.s32 v10, v37;
	[tilespmem:v43+s28+$0x0] =	vst.idx.msk $0xffff, v61;
	v43 =	vmul.f32 $8.000000000e+00, v44  }
0x6f: {  	[tilespmem:v47+s28+$0x0] =	vst.idx.msk $0xffff, v38;
	v45 =	vmul.f32 $8.000000000e+00, v46;
	v46 =	vadd.s32 v14, v36;
	v60 =	vld [tilespmem:s30+$0x50]  }
0x70: {  	v47 =	vmul.f32 $8.000000000e+00, v49;
	v49 =	vadd.s32 v18, v35;
	v61 =	vld [tilespmem:s30+$0x90];
	[tilespmem:v50+s28+$0x0] =	vst.idx.msk $0xffff, v43  }
0x71: {  	v39 =	vmul.f32 $8.000000000e+00, v57;
	[tilespmem:v56+s28+$0x0] =	vst.idx.msk $0xffff, v45;
	v45 =	vadd.s32 v22, v33;
	v50 =	vld [tilespmem:s30+$0xE0]  }
0x72: {  	[tilespmem:v53+s28+$0x0] =	vst.idx.msk $0xffff, v47;
	v47 =	vmul.f32 $8.000000000e+00, v58;
	v53 =	vadd.s32 v11, v34;
	v56 =	vld [tilespmem:s30+$0xFFFFFF20]  }
0x73: {  	s17 =	simm.s32 $0x9;
	[tilespmem:v55+s28+$0x0] =	vst.idx.msk $0xffff, v39;
	v39 =	vmul.f32 $8.000000000e+00, v59;
	v55 =	vadd.s32 v29, v2;
	v57 =	vld [tilespmem:s30+$0xFFFFFF60]  }
0x74: {  	s13 =	simm.s32 $0xD;
	v48 =	vmov s17;
	v58 =	vadd.s32 v62, v31;
	v59 =	vld [tilespmem:s30+$0xFFFFFFA0];
	[tilespmem:v46+s28+$0x0] =	vst.idx.msk $0xffff, v47;
	v46 =	vmul.f32 $8.000000000e+00, v60  }
0x75: {  	v13 =	vmovc v10;
	v44 =	vmov s13;
	v60 =	vadd.s32 v41, v3;
	[tilespmem:v49+s28+$0x0] =	vst.idx.msk $0xffff, v39;
	v47 =	vmul.f32 $8.000000000e+00, v61  }
0x76: {  	s17 =	simm.s32 $0xE;
	v10 =	vmovc v41;
	v41 =	vshrl.u32 v44, $0x3;
	v49 =	vadd.s32 v63, v37;
	[tilespmem:v45+s28+$0x0] =	vst.idx.msk $0xffff, v46;
	v44 =	vmul.f32 $8.000000000e+00, v50  }
0x77: {  	v38 =	vmov s17;
	v43 =	vshll.u32 v42, v1;
	[tilespmem:v53+s28+$0x0] =	vst.idx.msk $0xffff, v47;
	v50 =	vmul.f32 $8.000000000e+00, v56  }
0x78: {  	v42 =	vshrl.u32 v38, $0x3;
	v38 =	vbroadcast v43, $0x0;
	v43 =	vmul.f32 $8.000000000e+00, v57;
	[tilespmem:v55+s28+$0x0] =	vst.idx.msk $0xffff, v44  }
0x79: {  	v46 =	vmul.f32 $8.000000000e+00, v59;
	[tilespmem:v58+s28+$0x0] =	vst.idx.msk $0xffff, v50  }
0x7a: {  	[tilespmem:v60+s28+$0x0] =	vst.idx.msk $0xffff, v43  }
0x7b: {  	v9 =	vmov v6;
	v6 =	vmov v62;
	v62 =	vld [tilespmem:s30+$0xFFFFFFE0];
	[tilespmem:v49+s28+$0x0] =	vst.idx.msk $0xffff, v46  }
0x7c: {  	v4 =	vmov v0;
	v0 =	vld [tilespmem:$0x1FFF0]  }
0x7d: {  	v17 =	vmov v14;
	v14 =	vmov v63;
	v63 =	vld [tilespmem:s30+$0x20]  }
0x7e: {  	v40 =	vld [tilespmem:s30+$0x60]  }
0x7f: {  	v39 =	vadd.s32 v15, v36;
	v61 =	vld [tilespmem:s30+$0xA0]  }
0x80: {  	s6 =	simm.s32 $0xB;
	v56 =	vld [tilespmem:s30+$0xF0]  }
0x81: {  	v52 =	vmov s6;
	v57 =	vadd.s32 v19, v35;
	v53 =	vadd.s32 v0, v2;
	v0 =	vld [tilespmem:$0x1FF80]  }
0x82: {  	s8 =	simm.s32 $0xC;
	v52 =	vshrl.u32 v52, $0x3;
	v50 =	vld [tilespmem:s30+$0xFFFFFF30];
	v62 =	vmul.f32 $8.000000000e+00, v62  }
0x83: {  	v54 =	vmov s8;
	v45 =	vshll.u32 v52, v1;
	v52 =	vld [tilespmem:s30+$0xFFFFFF70]  }
0x84: {  	v54 =	vshrl.u32 v54, $0x3;
	v63 =	vmul.f32 $8.000000000e+00, v63;
	v49 =	vld [tilespmem:s30+$0xFFFFFFB0];
	[tilespmem:v39+s28+$0x0] =	vst.idx.msk $0xffff, v62  }
0x85: {  	v48 =	vshrl.u32 v48, $0x3;
	v46 =	vshll.u32 v54, v1;
	v54 =	vld [tilespmem:s30+$0xFFFFFFF0]  }
0x86: {  	v47 =	vshll.u32 v48, v1;
	v48 =	vadd.s32 v0, v31;
	v0 =	vld [tilespmem:$0x1FF90];
	[tilespmem:v57+s28+$0x0] =	vst.idx.msk $0xffff, v63  }
0x87: {  	v24 =	vmov v21;
	s1 =	simm.s32 $0xA;
	v21 =	vmov v18;
	v18 =	vld [tilespmem:$0x1FFA0]  }
0x88: {  	v25 =	vmov v22;
	v51 =	vmov s1;
	v22 =	vld [tilespmem:$0x1FFB0]  }
0x89: {  	v51 =	vshrl.u32 v51, $0x3;
	v55 =	vadd.s32 v23, v33;
	v26 =	vld [tilespmem:$0x1FFC0]  }
0x8a: {  	v44 =	vshll.u32 v51, v1;
	v51 =	vadd.s32 v30, v34;
	v43 =	vshll.u32 v41, v1;
	v27 =	vld [tilespmem:$0x1FFD0]  }
0x8b: {  	s31 =	simm.s32 $0x10;
	s0 =	simm.s32 $0xF;
	v39 =	vmul.f32 $8.000000000e+00, v40;
	v40 =	vmul.f32 $8.000000000e+00, v61;
	v31 =	vld [tilespmem:$0x1FFE0];
	v41 =	vadd.s32 v0, v3  }
.LBB2_9:
0x8c: {  	_ = 	snop  }
0x8d: {  	v57 =	vmov s0;
	v58 =	vld [tilespmem:s30+$0x30]  }
0x8e: {  	v37 =	vadd.s32 v18, v37;
	v36 =	vadd.s32 v22, v36;
	[tilespmem:v55+s28+$0x0] =	vst.idx.msk $0xffff, v39;
	v60 =	vmul.f32 $8.000000000e+00, v56  }
0x8f: {  	v35 =	vadd.s32 v26, v35;
	v61 =	vshrl.u32 v57, $0x3;
	[tilespmem:v51+s28+$0x0] =	vst.idx.msk $0xffff, v40;
	v62 =	vld [tilespmem:s30+$0x70];
	v50 =	vmul.f32 $8.000000000e+00, v50  }
0x90: {  	v39 =	vmov v38;
	v38 =	vshll.u32 v61, v1;
	v63 =	vmul.f32 $8.000000000e+00, v52;
	v52 =	vld [tilespmem:s30+$0xB0];
	s30 =	sadd.s32 $0x200, s30;
	[tilespmem:v53+s28+$0x0] =	vst.idx.msk $0xffff, v60  }
0x91: {  	v33 =	vadd.s32 v27, v33;
	v40 =	vbroadcast v38, $0x0;
	v55 =	vmul.f32 $8.000000000e+00, v49;
	[tilespmem:v48+s28+$0x0] =	vst.idx.msk $0xffff, v50;
	v53 =	vld [tilespmem:s30+$0xC0]  }
0x92: {  	v42 =	vshll.u32 v42, v1;
	v34 =	vadd.s32 v31, v34;
	[tilespmem:v41+s28+$0x0] =	vst.idx.msk $0xffff, v63;
	v60 =	vmul.f32 $8.000000000e+00, v58;
	v48 =	vld [tilespmem:s30+$0xFFFFFF00]  }
0x93: {  	v57 =	vmul.f32 $8.000000000e+00, v54;
	v41 =	vbroadcast v47, $0x0;
	v47 =	vadd.s32 v32, v40;
	[tilespmem:v37+s28+$0x0] =	vst.idx.msk $0xffff, v55;
	v59 =	vld [tilespmem:s30+$0xFFFFFF40]  }
0x94: {  	v51 =	vadd.s32 v4, v39;
	v37 =	vbroadcast v44, $0x0;
	v61 =	vld [tilespmem:s30+$0xFFFFFF80];
	v62 =	vmul.f32 $8.000000000e+00, v62;
	[tilespmem:v35+s28+$0x0] =	vst.idx.msk $0xffff, v60  }
0x95: {  	[tilespmem:v36+s28+$0x0] =	vst.idx.msk $0xffff, v57;
	v49 =	vadd.s32 v8, v41;
	v35 =	vbroadcast v46, $0x0;
	v56 =	vmul.f32 $8.000000000e+00, v52;
	v52 =	vld [tilespmem:s30+$0x0]  }
0x96: {  	v36 =	vbroadcast v45, $0x0;
	v63 =	vld [tilespmem:s30+$0xFFFFFFC0];
	v45 =	vadd.s32 v12, v37;
	[tilespmem:v33+s28+$0x0] =	vst.idx.msk $0xffff, v62;
	v57 =	vmul.f32 $8.000000000e+00, v53  }
0x97: {  	v33 =	vbroadcast v43, $0x0;
	v43 =	vadd.s32 v20, v35;
	[tilespmem:v34+s28+$0x0] =	vst.idx.msk $0xffff, v56;
	v58 =	vmul.f32 $8.000000000e+00, v48;
	v53 =	vld [tilespmem:s30+$0x40]  }
0x98: {  	v34 =	vbroadcast v42, $0x0;
	v48 =	vadd.s32 v16, v36;
	v59 =	vmul.f32 $8.000000000e+00, v59;
	v50 =	vld [tilespmem:s30+$0x80];
	[tilespmem:v47+s28+$0x0] =	vst.idx.msk $0xffff, v57  }
0x99: {  	v60 =	vmov s31;
	v62 =	vadd.s32 v24, v33;
	v61 =	vmul.f32 $8.000000000e+00, v61;
	[tilespmem:v51+s28+$0x0] =	vst.idx.msk $0xffff, v58;
	v47 =	vld [tilespmem:s30+$0xD0]  }
0x9a: {  	v42 =	vshrl.u32 v60, $0x3;
	[tilespmem:v49+s28+$0x0] =	vst.idx.msk $0xffff, v59;
	v49 =	vadd.s32 v28, v34;
	v60 =	vmul.f32 $8.000000000e+00, v52;
	v51 =	vld [tilespmem:s30+$0xFFFFFF10]  }
0x9b: {  	v63 =	vmul.f32 $8.000000000e+00, v63;
	[tilespmem:v45+s28+$0x0] =	vst.idx.msk $0xffff, v61;
	v45 =	vadd.s32 v7, v40;
	v55 =	vld [tilespmem:s30+$0xFFFFFF50]  }
0x9c: {  	v56 =	vadd.s32 v5, v39;
	v57 =	vld [tilespmem:s30+$0xFFFFFF90];
	[tilespmem:v43+s28+$0x0] =	vst.idx.msk $0xffff, v60;
	v61 =	vmul.f32 $8.000000000e+00, v53  }
0x9d: {  	[tilespmem:v48+s28+$0x0] =	vst.idx.msk $0xffff, v63;
	v53 =	vadd.s32 v9, v41;
	v43 =	vmul.f32 $8.000000000e+00, v50  }
0x9e: {  	v50 =	vadd.s32 v13, v37;
	v58 =	vld [tilespmem:s30+$0xFFFFFFD0];
	[tilespmem:v62+s28+$0x0] =	vst.idx.msk $0xffff, v61;
	v38 =	vmul.f32 $8.000000000e+00, v47  }
0x9f: {  	v59 =	vld [tilespmem:s30+$0x10];
	[tilespmem:v49+s28+$0x0] =	vst.idx.msk $0xffff, v43;
	v47 =	vmul.f32 $8.000000000e+00, v51  }
0xa0: {  	v51 =	vadd.s32 v17, v36;
	v60 =	vld [tilespmem:s30+$0x50];
	v49 =	vmul.f32 $8.000000000e+00, v55;
	[tilespmem:v45+s28+$0x0] =	vst.idx.msk $0xffff, v38  }
0xa1: {  	v55 =	vadd.s32 v21, v35;
	v61 =	vld [tilespmem:s30+$0x90];
	v62 =	vmul.f32 $8.000000000e+00, v57;
	[tilespmem:v56+s28+$0x0] =	vst.idx.msk $0xffff, v47  }
0xa2: {  	s8 =	sadd.s32 $0x4, s31;
	v45 =	vadd.s32 v25, v33;
	[tilespmem:v53+s28+$0x0] =	vst.idx.msk $0xffff, v49;
	v47 =	vld [tilespmem:s30+$0xE0]  }
0xa3: {  	s13 =	sadd.s32 $0x5, s31;
	v44 =	vmov s8;
	v53 =	vadd.s32 v11, v34;
	[tilespmem:v50+s28+$0x0] =	vst.idx.msk $0xffff, v62;
	v56 =	vld [tilespmem:s30+$0xFFFFFF20];
	v63 =	vmul.f32 $8.000000000e+00, v58  }
0xa4: {  	v46 =	vmov s13;
	v38 =	vshll.u32 v42, v1;
	v42 =	vmul.f32 $8.000000000e+00, v59;
	v59 =	vld [tilespmem:s30+$0xFFFFFFA0]  }
0xa5: {  	v50 =	vadd.s32 v29, v40;
	v57 =	vld [tilespmem:s30+$0xFFFFFF60];
	[tilespmem:v51+s28+$0x0] =	vst.idx.msk $0xffff, v63;
	v49 =	vmul.f32 $8.000000000e+00, v60;
	v60 =	vshrl.u32 v44, $0x3  }
0xa6: {  	s17 =	sadd.s32 $0x1, s31;
	[tilespmem:v55+s28+$0x0] =	vst.idx.msk $0xffff, v42;
	v44 =	vmul.f32 $8.000000000e+00, v61;
	v61 =	vshrl.u32 v46, $0x3;
	v46 =	vadd.s32 v14, v37;
	v62 =	vld [tilespmem:s30+$0xFFFFFFE0]  }
0xa7: {  	v54 =	vmov s17;
	s17 =	sadd.s32 $0x6, s31;
	v58 =	vadd.s32 v6, v39;
	v63 =	vld [tilespmem:s30+$0x20];
	[tilespmem:v45+s28+$0x0] =	vst.idx.msk $0xffff, v49  }
0xa8: {  	v43 =	vmov s17;
	[tilespmem:v53+s28+$0x0] =	vst.idx.msk $0xffff, v44;
	v45 =	vmul.f32 $8.000000000e+00, v47;
	v2 =	vld [tilespmem:s30+$0x60]  }
0xa9: {  	v51 =	vadd.s32 v10, v41;
	v42 =	vshrl.u32 v43, $0x3;
	v3 =	vld [tilespmem:s30+$0xA0];
	v43 =	vmul.f32 $8.000000000e+00, v59  }
0xaa: {  	s1 =	sadd.s32 $0x2, s31;
	s6 =	sadd.s32 $0x3, s31;
	v54 =	vshrl.u32 v54, $0x3;
	v0 =	vadd.s32 v15, v36;
	v55 =	vmul.f32 $8.000000000e+00, v56;
	v59 =	vld [tilespmem:$0x1FF80];
	[tilespmem:v50+s28+$0x0] =	vst.idx.msk $0xffff, v45  }
0xab: {  	v52 =	vmov s1;
	v48 =	vmov s6;
	[tilespmem:v46+s28+$0x0] =	vst.idx.msk $0xffff, v43;
	v46 =	vshll.u32 v60, v1;
	v60 =	vld [tilespmem:$0x1FF90]  }
0xac: {  	p1 =	slt.u32 s31, $0x1F8;
	v49 =	vmul.f32 $8.000000000e+00, v57;
	v57 =	vadd.s32 v19, v35;
	[tilespmem:v58+s28+$0x0] =	vst.idx.msk $0xffff, v55;
	v58 =	vmul.f32 $8.000000000e+00, v63;
	v63 =	vld [tilespmem:$0x1FFF0]  }
.Ltmp5:
0xad: {  	v52 =	vshrl.u32 v52, $0x3;
	v48 =	vshrl.u32 v48, $0x3;
	v38 =	vbroadcast v38, $0x0;
	v56 =	vld [tilespmem:s30+$0xF0];
	(pc) =	sbr.rel @p1 .LBB2_9-.Ltmp5, $4  }
0xae: {  	v44 =	vshll.u32 v52, v1;
	v47 =	vshll.u32 v54, v1;
	[tilespmem:v51+s28+$0x0] =	vst.idx.msk $0xffff, v49;
	v50 =	vld [tilespmem:s30+$0xFFFFFF30];
	v54 =	vmul.f32 $8.000000000e+00, v62  }
0xaf: {  	v55 =	vadd.s32 v23, v33;
	v51 =	vadd.s32 v30, v34;
	v45 =	vshll.u32 v48, v1;
	v52 =	vld [tilespmem:s30+$0xFFFFFF70]  }
0xb0: {  	v43 =	vshll.u32 v61, v1;
	v49 =	vld [tilespmem:s30+$0xFFFFFFB0];
	v48 =	vadd.s32 v59, v39;
	[tilespmem:v0+s28+$0x0] =	vst.idx.msk $0xffff, v54;
	v39 =	vmul.f32 $8.000000000e+00, v2  }
0xb1: {  	s0 =	sadd.s32 $0x7, s31;
	s31 =	sadd.s32 $0x8, s31;
	[tilespmem:v57+s28+$0x0] =	vst.idx.msk $0xffff, v58;
	v54 =	vld [tilespmem:s30+$0xFFFFFFF0];
	v41 =	vadd.s32 v60, v41;
	v53 =	vadd.s32 v63, v40;
	v40 =	vmul.f32 $8.000000000e+00, v3  }
0xb2: {  	_ =	sdelay $0x3  }
0xb3: {  	v0 =	vmov s0;
	v2 =	vadd.s32 v18, v37;
	v3 =	vld [tilespmem:s30+$0x30];
	[tilespmem:v55+s28+$0x0] =	vst.idx.msk $0xffff, v39;
	v55 =	vmul.f32 $8.000000000e+00, v56  }
0xb4: {  	v36 =	vadd.s32 v22, v36;
	v0 =	vshrl.u32 v0, $0x3;
	v56 =	vmul.f32 $8.000000000e+00, v50;
	v57 =	vld [tilespmem:s30+$0x70];
	[tilespmem:v51+s28+$0x0] =	vst.idx.msk $0xffff, v40  }
0xb5: {  	v35 =	vadd.s32 v26, v35;
	v0 =	vshll.u32 v0, v1;
	v62 =	vmul.f32 $8.000000000e+00, v52;
	v51 =	vld [tilespmem:s30+$0xB0];
	[tilespmem:v53+s28+$0x0] =	vst.idx.msk $0xffff, v55;
	s30 =	sadd.s32 $0x200, s30  }
0xb6: {  	v33 =	vadd.s32 v27, v33;
	v37 =	vld [tilespmem:s30+$0xC0];
	v0 =	vbroadcast v0, $0x0;
	[tilespmem:v48+s28+$0x0] =	vst.idx.msk $0xffff, v56;
	v53 =	vmul.f32 $8.000000000e+00, v49  }
0xb7: {  	v42 =	vshll.u32 v42, v1;
	v34 =	vadd.s32 v31, v34;
	v48 =	vld [tilespmem:s30+$0xFFFFFF00];
	[tilespmem:v41+s28+$0x0] =	vst.idx.msk $0xffff, v62;
	v54 =	vmul.f32 $8.000000000e+00, v54  }
0xb8: {  	v47 =	vbroadcast v47, $0x0;
	v55 =	vld [tilespmem:s30+$0xFFFFFF40];
	v58 =	vadd.s32 v32, v0;
	[tilespmem:v2+s28+$0x0] =	vst.idx.msk $0xffff, v53;
	v2 =	vmul.f32 $8.000000000e+00, v3  }
0xb9: {  	v44 =	vbroadcast v44, $0x0;
	v61 =	vld [tilespmem:s30+$0xFFFFFF80];
	v3 =	vadd.s32 v4, v38;
	[tilespmem:v36+s28+$0x0] =	vst.idx.msk $0xffff, v54;
	v56 =	vmul.f32 $8.000000000e+00, v57  }
0xba: {  	v45 =	vbroadcast v45, $0x0;
	v40 =	vadd.s32 v8, v47;
	v50 =	vld [tilespmem:s30+$0xFFFFFFC0];
	[tilespmem:v35+s28+$0x0] =	vst.idx.msk $0xffff, v2;
	v2 =	vmul.f32 $8.000000000e+00, v51  }
0xbb: {  	v46 =	vbroadcast v46, $0x0;
	v62 =	vld [tilespmem:s30+$0x0];
	v57 =	vadd.s32 v12, v44;
	v37 =	vmul.f32 $8.000000000e+00, v37;
	[tilespmem:v33+s28+$0x0] =	vst.idx.msk $0xffff, v56  }
0xbc: {  	v43 =	vbroadcast v43, $0x0;
	v36 =	vadd.s32 v16, v45;
	v54 =	vld [tilespmem:s30+$0x40];
	v53 =	vmul.f32 $8.000000000e+00, v48;
	[tilespmem:v34+s28+$0x0] =	vst.idx.msk $0xffff, v2  }
0xbd: {  	v42 =	vbroadcast v42, $0x0;
	v56 =	vld [tilespmem:s30+$0x80];
	v2 =	vmul.f32 $8.000000000e+00, v55;
	v55 =	vadd.s32 v20, v46;
	[tilespmem:v58+s28+$0x0] =	vst.idx.msk $0xffff, v37  }
0xbe: {  	[tilespmem:v3+s28+$0x0] =	vst.idx.msk $0xffff, v53;
	v3 =	vmul.f32 $8.000000000e+00, v61;
	v58 =	vadd.s32 v24, v43;
	v37 =	vld [tilespmem:s30+$0xD0]  }
0xbf: {  	v61 =	vld [tilespmem:s30+$0xFFFFFF10];
	[tilespmem:v40+s28+$0x0] =	vst.idx.msk $0xffff, v2;
	v2 =	vmul.f32 $8.000000000e+00, v50;
	v40 =	vadd.s32 v28, v42  }
0xc0: {  	v35 =	vadd.s32 v7, v0;
	v49 =	vld [tilespmem:s30+$0xFFFFFF50];
	[tilespmem:v57+s28+$0x0] =	vst.idx.msk $0xffff, v3;
	v3 =	vmul.f32 $8.000000000e+00, v62  }
0xc1: {  	v57 =	vadd.s32 v5, v38;
	v62 =	vld [tilespmem:s30+$0xFFFFFF90];
	[tilespmem:v36+s28+$0x0] =	vst.idx.msk $0xffff, v2;
	v2 =	vmul.f32 $8.000000000e+00, v54  }
0xc2: {  	v53 =	vadd.s32 v9, v47;
	v54 =	vld [tilespmem:s30+$0xFFFFFFD0];
	[tilespmem:v55+s28+$0x0] =	vst.idx.msk $0xffff, v3;
	v3 =	vmul.f32 $8.000000000e+00, v56  }
0xc3: {  	v55 =	vadd.s32 v13, v44;
	v56 =	vld [tilespmem:s30+$0x10];
	[tilespmem:v58+s28+$0x0] =	vst.idx.msk $0xffff, v2;
	v2 =	vmul.f32 $8.000000000e+00, v37  }
0xc4: {  	v58 =	vmul.f32 $8.000000000e+00, v61;
	v37 =	vadd.s32 v17, v45;
	v61 =	vld [tilespmem:s30+$0x50];
	[tilespmem:v40+s28+$0x0] =	vst.idx.msk $0xffff, v3  }
0xc5: {  	v40 =	vadd.s32 v21, v46;
	v3 =	vmul.f32 $8.000000000e+00, v49;
	v49 =	vld [tilespmem:s30+$0x90];
	[tilespmem:v35+s28+$0x0] =	vst.idx.msk $0xffff, v2  }
0xc6: {  	[tilespmem:v57+s28+$0x0] =	vst.idx.msk $0xffff, v58;
	v2 =	vmul.f32 $8.000000000e+00, v62;
	v62 =	vadd.s32 v25, v43;
	v35 =	vld [tilespmem:s30+$0xE0]  }
0xc7: {  	v36 =	vadd.s32 v11, v42;
	v50 =	vld [tilespmem:s30+$0xFFFFFF20];
	[tilespmem:v53+s28+$0x0] =	vst.idx.msk $0xffff, v3;
	v3 =	vmul.f32 $8.000000000e+00, v54  }
0xc8: {  	v34 =	vadd.s32 v29, v0;
	v57 =	vld [tilespmem:s30+$0xFFFFFF60];
	[tilespmem:v55+s28+$0x0] =	vst.idx.msk $0xffff, v2;
	v2 =	vmul.f32 $8.000000000e+00, v56  }
0xc9: {  	v41 =	vadd.s32 v6, v38;
	v58 =	vld [tilespmem:s30+$0xFFFFFFA0];
	[tilespmem:v37+s28+$0x0] =	vst.idx.msk $0xffff, v3;
	v3 =	vmul.f32 $8.000000000e+00, v61  }
0xca: {  	v37 =	vadd.s32 v10, v47;
	v61 =	vld [tilespmem:s30+$0xFFFFFFE0];
	[tilespmem:v40+s28+$0x0] =	vst.idx.msk $0xffff, v2;
	v2 =	vmul.f32 $8.000000000e+00, v49  }
0xcb: {  	v40 =	vadd.s32 v14, v44;
	v49 =	vld [tilespmem:s30+$0x20];
	[tilespmem:v62+s28+$0x0] =	vst.idx.msk $0xffff, v3;
	v3 =	vmul.f32 $8.000000000e+00, v35  }
0xcc: {  	v62 =	vmul.f32 $8.000000000e+00, v50;
	v35 =	vadd.s32 v15, v45;
	v50 =	vld [tilespmem:s30+$0x60];
	[tilespmem:v36+s28+$0x0] =	vst.idx.msk $0xffff, v2  }
0xcd: {  	v56 =	vadd.s32 v19, v46;
	v2 =	vmul.f32 $8.000000000e+00, v57;
	v57 =	vld [tilespmem:s30+$0xA0];
	[tilespmem:v34+s28+$0x0] =	vst.idx.msk $0xffff, v3  }
0xce: {  	[tilespmem:v41+s28+$0x0] =	vst.idx.msk $0xffff, v62;
	v3 =	vmul.f32 $8.000000000e+00, v58;
	v58 =	vadd.s32 v23, v43;
	v34 =	vld [tilespmem:s30+$0xF0]  }
0xcf: {  	v41 =	vld [tilespmem:s30+$0xFFFFFF30];
	[tilespmem:v37+s28+$0x0] =	vst.idx.msk $0xffff, v2;
	v2 =	vmul.f32 $8.000000000e+00, v61;
	v61 =	vadd.s32 v30, v42  }
0xd0: {  	v0 =	vadd.s32 v63, v0;
	v62 =	vld [tilespmem:s30+$0xFFFFFF70];
	[tilespmem:v40+s28+$0x0] =	vst.idx.msk $0xffff, v3;
	v3 =	vmul.f32 $8.000000000e+00, v49  }
0xd1: {  	v49 =	vadd.s32 v59, v38;
	v40 =	vld [tilespmem:s30+$0xFFFFFFB0];
	[tilespmem:v35+s28+$0x0] =	vst.idx.msk $0xffff, v2;
	v2 =	vmul.f32 $8.000000000e+00, v50  }
0xd2: {  	v50 =	vadd.s32 v60, v47;
	v55 =	vld [tilespmem:s30+$0xFFFFFFF0];
	[tilespmem:v56+s28+$0x0] =	vst.idx.msk $0xffff, v3;
	v3 =	vmul.f32 $8.000000000e+00, v57  }
0xd3: {  	v56 =	vadd.s32 v18, v44;
	v57 =	vld [tilespmem:s30+$0x30];
	[tilespmem:v58+s28+$0x0] =	vst.idx.msk $0xffff, v2;
	v2 =	vmul.f32 $8.000000000e+00, v34  }
0xd4: {  	v59 =	vadd.s32 v22, v45;
	v58 =	vmul.f32 $8.000000000e+00, v41;
	v60 =	vld [tilespmem:s30+$0x70];
	[tilespmem:v61+s28+$0x0] =	vst.idx.msk $0xffff, v3  }
0xd5: {  	v61 =	vadd.s32 v26, v46;
	v3 =	vmul.f32 $8.000000000e+00, v62;
	v62 =	vld [tilespmem:s30+$0xB0];
	[tilespmem:v0+s28+$0x0] =	vst.idx.msk $0xffff, v2  }
0xd6: {  	[tilespmem:v49+s28+$0x0] =	vst.idx.msk $0xffff, v58;
	v0 =	vmul.f32 $8.000000000e+00, v40;
	v2 =	vadd.s32 v27, v43  }
0xd7: {  	v63 =	vadd.s32 v31, v42;
	[tilespmem:v50+s28+$0x0] =	vst.idx.msk $0xffff, v3;
	v3 =	vmul.f32 $8.000000000e+00, v55  }
0xd8: {  	[tilespmem:v56+s28+$0x0] =	vst.idx.msk $0xffff, v0;
	v0 =	vmul.f32 $8.000000000e+00, v57  }
0xd9: {  	s30 =	sshll.u32 s14, $0x14;
	[tilespmem:v59+s28+$0x0] =	vst.idx.msk $0xffff, v3;
	v3 =	vmul.f32 $8.000000000e+00, v60  }
0xda: {  	s1 =	sor.u32 s9, s30;
	[tilespmem:v61+s28+$0x0] =	vst.idx.msk $0xffff, v0;
	v0 =	vmul.f32 $8.000000000e+00, v62  }
0xdb: {  	s0 =	sshrl.u32 s1, $0x3;
	[tilespmem:v2+s28+$0x0] =	vst.idx.msk $0xffff, v3  }
0xdc: {  	s1 =	simm.s32 $0x10400;
	s0 =	sadd.s32 s2, s0;
	[tilespmem:v63+s28+$0x0] =	vst.idx.msk $0xffff, v0  }
0xdd: {  	[hbm4b:s0+s3] =	stream.linear.scatter [tilespmem:s1], [sflag:$0x3], $0x80, $0x38;
	[tilespmem:$0x18600] =	vst v63  }
0xde: {  	s6 =	simm.s32 $0x10608;
	s8 =	sadd.s32 $0x10, s0  }
0xdf: {  	[hbm4b:s8+s3] =	stream.linear.scatter [tilespmem:s6], [sflag:$0x3], $0x80, $0x38;
	[tilespmem:$0x18600] =	vst v63  }
0xe0: {  	s13 =	sadd.s32 $0x20, s0;
	s8 =	simm.s32 $0x10810  }
0xe1: {  	[hbm4b:s13+s3] =	stream.linear.scatter [tilespmem:s8], [sflag:$0x3], $0x80, $0x38;
	[tilespmem:$0x18600] =	vst v63  }
0xe2: {  	s17 =	simm.s32 $0x10A18;
	s6 =	sadd.s32 $0x30, s0  }
0xe3: {  	[hbm4b:s6+s3] =	stream.linear.scatter [tilespmem:s17], [sflag:$0x3], $0x80, $0x38;
	[tilespmem:$0x18600] =	vst v63  }
0xe4: {  	s8 =	simm.s32 $0x10C20;
	s13 =	sadd.s32 $0x40, s0  }
0xe5: {  	[hbm4b:s13+s3] =	stream.linear.scatter [tilespmem:s8], [sflag:$0x3], $0x80, $0x38;
	[tilespmem:$0x18600] =	vst v63  }
0xe6: {  	s31 =	simm.s32 $0x1040;
	s17 =	simm.s32 $0x10E28;
	s6 =	sadd.s32 $0x50, s0  }
0xe7: {  	[hbm4b:s6+s3] =	stream.linear.scatter [tilespmem:s17], [sflag:$0x3], $0x80, $0x38;
	[tilespmem:$0x18600] =	vst v63  }
0xe8: {  	v52 =	vmovc v15;
	v51 =	vmovc v23;
	v54 =	vmov v29;
	v53 =	vmov v19;
	v22 =	vmov v25;
	s1 =	simm.s32 $0x8200;
	s13 =	simm.s32 $0x11030;
	s17 =	sadd.s32 $0x60, s0  }
0xe9: {  	v18 =	vmovc v21;
	v21 =	vmovc v24;
	v41 =	vmov v10;
	v10 =	vmov v13;
	v56 =	vmov v5;
	[hbm4b:s17+s3] =	stream.linear.scatter [tilespmem:s13], [sflag:$0x3], $0x80, $0x38;
	[tilespmem:$0x18600] =	vst v63  }
0xea: {  	v62 =	vmovc v6;
	v6 =	vmovc v9;
	v63 =	vmov v14;
	v14 =	vmov v17;
	v0 =	vmov v4;
	s8 =	simm.s32 $0x11238;
	s13 =	sadd.s32 $0x70, s0;
	s0 =	sadd.s32 $0x4000, s0  }
.LBB2_11:
0xeb: {  	[hbm4b:s13+s3] =	stream.linear.scatter [tilespmem:s8], [sflag:$0x3], $0x80, $0x38;
	[tilespmem:$0x18600] =	vst v63  }
0xec: {  	s8 =	smov.u32 s31;
	s13 =	smov.u32 s1  }
0xed: {  	s6 =	sadd.s32 $0x4100, s1;
	s31 =	sshra.s32 s13, $0x2;
	s13 =	sadd.s32 $0x10400, s8  }
0xee: {  	[hbm4b:s0+s3] =	stream.linear.scatter [tilespmem:s13], [sflag:$0x3], $0x80, $0x38;
	[tilespmem:$0x18600] =	vst v63  }
0xef: {  	p1 =	sne.s32 s1, $0x1C700;
	s1 =	sadd.s32 $0x10608, s8;
	s13 =	sadd.s32 $0x10, s0  }
0xf0: {  	[hbm4b:s13+s3] =	stream.linear.scatter [tilespmem:s1], [sflag:$0x3], $0x80, $0x38;
	[tilespmem:$0x18600] =	vst v63  }
0xf1: {  	s1 =	sadd.s32 $0x10810, s8;
	s13 =	sadd.s32 $0x20, s0  }
0xf2: {  	[hbm4b:s13+s3] =	stream.linear.scatter [tilespmem:s1], [sflag:$0x3], $0x80, $0x38;
	[tilespmem:$0x18600] =	vst v63  }
0xf3: {  	s1 =	sadd.s32 $0x10A18, s8;
	s13 =	sadd.s32 $0x30, s0  }
0xf4: {  	[hbm4b:s13+s3] =	stream.linear.scatter [tilespmem:s1], [sflag:$0x3], $0x80, $0x38;
	[tilespmem:$0x18600] =	vst v63  }
0xf5: {  	s1 =	sadd.s32 $0x10C20, s8;
	s13 =	sadd.s32 $0x40, s0  }
0xf6: {  	[hbm4b:s13+s3] =	stream.linear.scatter [tilespmem:s1], [sflag:$0x3], $0x80, $0x38;
	[tilespmem:$0x18600] =	vst v63  }
.Ltmp6:
0xf7: {  	s1 =	sadd.s32 $0x10E28, s8;
	s13 =	sadd.s32 $0x50, s0;
	(pc) =	sbr.rel @p1 .LBB2_11-.Ltmp6, $4  }
0xf8: {  	[hbm4b:s13+s3] =	stream.linear.scatter [tilespmem:s1], [sflag:$0x3], $0x80, $0x38;
	[tilespmem:$0x18600] =	vst v63  }
0xf9: {  	s1 =	sadd.s32 $0x11030, s8;
	s13 =	sadd.s32 $0x60, s0;
	s8 =	sadd.s32 $0x11238, s8  }
0xfa: {  	[hbm4b:s13+s3] =	stream.linear.scatter [tilespmem:s1], [sflag:$0x3], $0x80, $0x38;
	[tilespmem:$0x18600] =	vst v63  }
0xfb: {  	s13 =	sadd.s32 $0x70, s0;
	s0 =	sadd.s32 $0x4000, s0;
	s1 =	smov.u32 s6  }
0xfc: {  	[hbm4b:s13+s3] =	stream.linear.scatter [tilespmem:s8], [sflag:$0x3], $0x80, $0x38;
	[tilespmem:$0x18600] =	vst v63  }
0xfd: {  	s1 =	sadd.s32 $0x10400, s31  }
0xfe: {  	[hbm4b:s0+s3] =	stream.linear.scatter [tilespmem:s1], [sflag:$0x3], $0x80, $0x38;
	[tilespmem:$0x18600] =	vst v63  }
0xff: {  	s8 =	sadd.s32 $0x10608, s31;
	s6 =	sadd.s32 $0x10, s0  }
0x100: {  	[hbm4b:s6+s3] =	stream.linear.scatter [tilespmem:s8], [sflag:$0x3], $0x80, $0x38;
	[tilespmem:$0x18600] =	vst v63  }
0x101: {  	s13 =	sadd.s32 $0x10810, s31;
	s17 =	sadd.s32 $0x20, s0  }
0x102: {  	[hbm4b:s17+s3] =	stream.linear.scatter [tilespmem:s13], [sflag:$0x3], $0x80, $0x38;
	[tilespmem:$0x18600] =	vst v63  }
0x103: {  	s6 =	sadd.s32 $0x10A18, s31;
	s8 =	sadd.s32 $0x30, s0  }
0x104: {  	[hbm4b:s8+s3] =	stream.linear.scatter [tilespmem:s6], [sflag:$0x3], $0x80, $0x38;
	[tilespmem:$0x18600] =	vst v63  }
0x105: {  	s13 =	sadd.s32 $0x10C20, s31;
	s17 =	sadd.s32 $0x40, s0  }
0x106: {  	[hbm4b:s17+s3] =	stream.linear.scatter [tilespmem:s13], [sflag:$0x3], $0x80, $0x38;
	[tilespmem:$0x18600] =	vst v63  }
0x107: {  	s6 =	sadd.s32 $0x10E28, s31;
	s8 =	sadd.s32 $0x50, s0  }
0x108: {  	[hbm4b:s8+s3] =	stream.linear.scatter [tilespmem:s6], [sflag:$0x3], $0x80, $0x38;
	[tilespmem:$0x18600] =	vst v63  }
0x109: {  	s13 =	sadd.s32 $0x11030, s31;
	s17 =	sadd.s32 $0x60, s0  }
0x10a: {  	[hbm4b:s17+s3] =	stream.linear.scatter [tilespmem:s13], [sflag:$0x3], $0x80, $0x38;
	[tilespmem:$0x18600] =	vst v63  }
0x10b: {  	s13 =	sor.u32 s10, s30  }
0x10c: {  	s6 =	sadd.s32 $0x11238, s31;
	s8 =	sadd.s32 $0x70, s0;
	s0 =	sshrl.u32 s13, $0x3  }
0x10d: {  	[hbm4b:s8+s3] =	stream.linear.scatter [tilespmem:s6], [sflag:$0x3], $0x80, $0x38;
	[tilespmem:$0x18600] =	vst v63  }
0x10e: {  	s17 =	simm.s32 $0x10480;
	s6 =	sadd.s32 s2, s0  }
0x10f: {  	[hbm4b:s6+s3] =	stream.linear.scatter [tilespmem:s17], [sflag:$0x3], $0x80, $0x38;
	[tilespmem:$0x18600] =	vst v63  }
0x110: {  	s1 =	simm.s32 $0x10688;
	s8 =	sadd.s32 $0x10, s6  }
0x111: {  	[hbm4b:s8+s3] =	stream.linear.scatter [tilespmem:s1], [sflag:$0x3], $0x80, $0x38;
	[tilespmem:$0x18600] =	vst v63  }
0x112: {  	s13 =	simm.s32 $0x10890;
	s17 =	sadd.s32 $0x20, s6  }
0x113: {  	[hbm4b:s17+s3] =	stream.linear.scatter [tilespmem:s13], [sflag:$0x3], $0x80, $0x38;
	[tilespmem:$0x18600] =	vst v63  }
0x114: {  	s1 =	simm.s32 $0x10A98;
	s8 =	sadd.s32 $0x30, s6  }
0x115: {  	[hbm4b:s8+s3] =	stream.linear.scatter [tilespmem:s1], [sflag:$0x3], $0x80, $0x38;
	[tilespmem:$0x18600] =	vst v63  }
0x116: {  	s13 =	simm.s32 $0x10CA0;
	s17 =	sadd.s32 $0x40, s6  }
0x117: {  	[hbm4b:s17+s3] =	stream.linear.scatter [tilespmem:s13], [sflag:$0x3], $0x80, $0x38;
	[tilespmem:$0x18600] =	vst v63  }
0x118: {  	s0 =	simm.s32 $0x1040;
	s1 =	simm.s32 $0x10EA8;
	s8 =	sadd.s32 $0x50, s6  }
0x119: {  	[hbm4b:s8+s3] =	stream.linear.scatter [tilespmem:s1], [sflag:$0x3], $0x80, $0x38;
	[tilespmem:$0x18600] =	vst v63  }
0x11a: {  	s31 =	sadd.s32 $0x4000, s6;
	s13 =	simm.s32 $0x110B0;
	s17 =	sadd.s32 $0x60, s6  }
0x11b: {  	[hbm4b:s17+s3] =	stream.linear.scatter [tilespmem:s13], [sflag:$0x3], $0x80, $0x38;
	[tilespmem:$0x18600] =	vst v63  }
0x11c: {  	s1 =	simm.s32 $0x8200;
	s8 =	simm.s32 $0x112B8;
	s13 =	sadd.s32 $0x70, s6  }
.LBB2_13:
0x11d: {  	[hbm4b:s13+s3] =	stream.linear.scatter [tilespmem:s8], [sflag:$0x3], $0x80, $0x38;
	[tilespmem:$0x18600] =	vst v63  }
0x11e: {  	s6 =	smov.u32 s0;
	s0 =	smov.u32 s1  }
0x11f: {  	s17 =	sadd.s32 $0x4100, s1;
	s0 =	sshra.s32 s0, $0x2;
	s8 =	sadd.s32 $0x10480, s6  }
0x120: {  	[hbm4b:s31+s3] =	stream.linear.scatter [tilespmem:s8], [sflag:$0x3], $0x80, $0x38;
	[tilespmem:$0x18600] =	vst v63  }
0x121: {  	p1 =	sne.s32 s1, $0x1C700;
	s1 =	sadd.s32 $0x10688, s6;
	s8 =	sadd.s32 $0x10, s31  }
0x122: {  	[hbm4b:s8+s3] =	stream.linear.scatter [tilespmem:s1], [sflag:$0x3], $0x80, $0x38;
	[tilespmem:$0x18600] =	vst v63  }
0x123: {  	s1 =	sadd.s32 $0x10890, s6;
	s8 =	sadd.s32 $0x20, s31  }
0x124: {  	[hbm4b:s8+s3] =	stream.linear.scatter [tilespmem:s1], [sflag:$0x3], $0x80, $0x38;
	[tilespmem:$0x18600] =	vst v63  }
0x125: {  	s1 =	sadd.s32 $0x10A98, s6;
	s8 =	sadd.s32 $0x30, s31  }
0x126: {  	[hbm4b:s8+s3] =	stream.linear.scatter [tilespmem:s1], [sflag:$0x3], $0x80, $0x38;
	[tilespmem:$0x18600] =	vst v63  }
0x127: {  	s1 =	sadd.s32 $0x10CA0, s6;
	s8 =	sadd.s32 $0x40, s31  }
0x128: {  	[hbm4b:s8+s3] =	stream.linear.scatter [tilespmem:s1], [sflag:$0x3], $0x80, $0x38;
	[tilespmem:$0x18600] =	vst v63  }
.Ltmp7:
0x129: {  	s1 =	sadd.s32 $0x10EA8, s6;
	s8 =	sadd.s32 $0x50, s31;
	(pc) =	sbr.rel @p1 .LBB2_13-.Ltmp7, $4  }
0x12a: {  	[hbm4b:s8+s3] =	stream.linear.scatter [tilespmem:s1], [sflag:$0x3], $0x80, $0x38;
	[tilespmem:$0x18600] =	vst v63  }
0x12b: {  	s13 =	sadd.s32 $0x70, s31;
	s1 =	sadd.s32 $0x110B0, s6;
	s8 =	sadd.s32 $0x60, s31  }
0x12c: {  	[hbm4b:s8+s3] =	stream.linear.scatter [tilespmem:s1], [sflag:$0x3], $0x80, $0x38;
	[tilespmem:$0x18600] =	vst v63  }
0x12d: {  	s31 =	sadd.s32 $0x4000, s31;
	s8 =	sadd.s32 $0x112B8, s6;
	s1 =	smov.u32 s17  }
0x12e: {  	[hbm4b:s13+s3] =	stream.linear.scatter [tilespmem:s8], [sflag:$0x3], $0x80, $0x38;
	[tilespmem:$0x18600] =	vst v63  }
0x12f: {  	s1 =	sadd.s32 $0x10480, s0  }
0x130: {  	[hbm4b:s31+s3] =	stream.linear.scatter [tilespmem:s1], [sflag:$0x3], $0x80, $0x38;
	[tilespmem:$0x18600] =	vst v63  }
0x131: {  	s8 =	sadd.s32 $0x10688, s0;
	s6 =	sadd.s32 $0x10, s31  }
0x132: {  	[hbm4b:s6+s3] =	stream.linear.scatter [tilespmem:s8], [sflag:$0x3], $0x80, $0x38;
	[tilespmem:$0x18600] =	vst v63  }
0x133: {  	s13 =	sadd.s32 $0x10890, s0;
	s17 =	sadd.s32 $0x20, s31  }
0x134: {  	[hbm4b:s17+s3] =	stream.linear.scatter [tilespmem:s13], [sflag:$0x3], $0x80, $0x38;
	[tilespmem:$0x18600] =	vst v63  }
0x135: {  	s6 =	sadd.s32 $0x10A98, s0;
	s8 =	sadd.s32 $0x30, s31  }
0x136: {  	[hbm4b:s8+s3] =	stream.linear.scatter [tilespmem:s6], [sflag:$0x3], $0x80, $0x38;
	[tilespmem:$0x18600] =	vst v63  }
0x137: {  	s13 =	sadd.s32 $0x10CA0, s0;
	s17 =	sadd.s32 $0x40, s31  }
0x138: {  	[hbm4b:s17+s3] =	stream.linear.scatter [tilespmem:s13], [sflag:$0x3], $0x80, $0x38;
	[tilespmem:$0x18600] =	vst v63  }
0x139: {  	s6 =	sadd.s32 $0x10EA8, s0;
	s8 =	sadd.s32 $0x50, s31  }
0x13a: {  	[hbm4b:s8+s3] =	stream.linear.scatter [tilespmem:s6], [sflag:$0x3], $0x80, $0x38;
	[tilespmem:$0x18600] =	vst v63  }
0x13b: {  	s13 =	sadd.s32 $0x110B0, s0;
	s17 =	sadd.s32 $0x60, s31  }
0x13c: {  	[hbm4b:s17+s3] =	stream.linear.scatter [tilespmem:s13], [sflag:$0x3], $0x80, $0x38;
	[tilespmem:$0x18600] =	vst v63  }
0x13d: {  	s13 =	sor.u32 s11, s30  }
0x13e: {  	s6 =	sadd.s32 $0x112B8, s0;
	s8 =	sadd.s32 $0x70, s31;
	s0 =	sshrl.u32 s13, $0x3  }
0x13f: {  	[hbm4b:s8+s3] =	stream.linear.scatter [tilespmem:s6], [sflag:$0x3], $0x80, $0x38;
	[tilespmem:$0x18600] =	vst v63  }
0x140: {  	s17 =	simm.s32 $0x10500;
	s6 =	sadd.s32 s2, s0  }
0x141: {  	[hbm4b:s6+s3] =	stream.linear.scatter [tilespmem:s17], [sflag:$0x3], $0x80, $0x38;
	[tilespmem:$0x18600] =	vst v63  }
0x142: {  	s1 =	simm.s32 $0x10708;
	s8 =	sadd.s32 $0x10, s6  }
0x143: {  	[hbm4b:s8+s3] =	stream.linear.scatter [tilespmem:s1], [sflag:$0x3], $0x80, $0x38;
	[tilespmem:$0x18600] =	vst v63  }
0x144: {  	s13 =	simm.s32 $0x10910;
	s17 =	sadd.s32 $0x20, s6  }
0x145: {  	[hbm4b:s17+s3] =	stream.linear.scatter [tilespmem:s13], [sflag:$0x3], $0x80, $0x38;
	[tilespmem:$0x18600] =	vst v63  }
0x146: {  	s1 =	simm.s32 $0x10B18;
	s8 =	sadd.s32 $0x30, s6  }
0x147: {  	[hbm4b:s8+s3] =	stream.linear.scatter [tilespmem:s1], [sflag:$0x3], $0x80, $0x38;
	[tilespmem:$0x18600] =	vst v63  }
0x148: {  	s13 =	simm.s32 $0x10D20;
	s17 =	sadd.s32 $0x40, s6  }
0x149: {  	[hbm4b:s17+s3] =	stream.linear.scatter [tilespmem:s13], [sflag:$0x3], $0x80, $0x38;
	[tilespmem:$0x18600] =	vst v63  }
0x14a: {  	s0 =	simm.s32 $0x1040;
	s1 =	simm.s32 $0x10F28;
	s8 =	sadd.s32 $0x50, s6  }
0x14b: {  	[hbm4b:s8+s3] =	stream.linear.scatter [tilespmem:s1], [sflag:$0x3], $0x80, $0x38;
	[tilespmem:$0x18600] =	vst v63  }
0x14c: {  	s31 =	sadd.s32 $0x4000, s6;
	s13 =	simm.s32 $0x11130;
	s17 =	sadd.s32 $0x60, s6  }
0x14d: {  	[hbm4b:s17+s3] =	stream.linear.scatter [tilespmem:s13], [sflag:$0x3], $0x80, $0x38;
	[tilespmem:$0x18600] =	vst v63  }
0x14e: {  	v15 =	vmovc v52;
	v19 =	vmov v53;
	v23 =	vmov v51;
	v29 =	vmov v54;
	s1 =	simm.s32 $0x8200;
	s8 =	simm.s32 $0x11338;
	s13 =	sadd.s32 $0x70, s6  }
.LBB2_15:
0x14f: {  	[hbm4b:s13+s3] =	stream.linear.scatter [tilespmem:s8], [sflag:$0x3], $0x80, $0x38;
	[tilespmem:$0x18600] =	vst v63  }
0x150: {  	s6 =	smov.u32 s0;
	s0 =	smov.u32 s1  }
0x151: {  	s17 =	sadd.s32 $0x4100, s1;
	s0 =	sshra.s32 s0, $0x2;
	s8 =	sadd.s32 $0x10500, s6  }
0x152: {  	[hbm4b:s31+s3] =	stream.linear.scatter [tilespmem:s8], [sflag:$0x3], $0x80, $0x38;
	[tilespmem:$0x18600] =	vst v63  }
0x153: {  	p1 =	sne.s32 s1, $0x1C700;
	s1 =	sadd.s32 $0x10708, s6;
	s8 =	sadd.s32 $0x10, s31  }
0x154: {  	[hbm4b:s8+s3] =	stream.linear.scatter [tilespmem:s1], [sflag:$0x3], $0x80, $0x38;
	[tilespmem:$0x18600] =	vst v63  }
0x155: {  	s1 =	sadd.s32 $0x10910, s6;
	s8 =	sadd.s32 $0x20, s31  }
0x156: {  	[hbm4b:s8+s3] =	stream.linear.scatter [tilespmem:s1], [sflag:$0x3], $0x80, $0x38;
	[tilespmem:$0x18600] =	vst v63  }
0x157: {  	s1 =	sadd.s32 $0x10B18, s6;
	s8 =	sadd.s32 $0x30, s31  }
0x158: {  	[hbm4b:s8+s3] =	stream.linear.scatter [tilespmem:s1], [sflag:$0x3], $0x80, $0x38;
	[tilespmem:$0x18600] =	vst v63  }
0x159: {  	s1 =	sadd.s32 $0x10D20, s6;
	s8 =	sadd.s32 $0x40, s31  }
0x15a: {  	[hbm4b:s8+s3] =	stream.linear.scatter [tilespmem:s1], [sflag:$0x3], $0x80, $0x38;
	[tilespmem:$0x18600] =	vst v63  }
.Ltmp8:
0x15b: {  	s1 =	sadd.s32 $0x10F28, s6;
	s8 =	sadd.s32 $0x50, s31;
	(pc) =	sbr.rel @p1 .LBB2_15-.Ltmp8, $4  }
0x15c: {  	[hbm4b:s8+s3] =	stream.linear.scatter [tilespmem:s1], [sflag:$0x3], $0x80, $0x38;
	[tilespmem:$0x18600] =	vst v63  }
0x15d: {  	s13 =	sadd.s32 $0x70, s31;
	s1 =	sadd.s32 $0x11130, s6;
	s8 =	sadd.s32 $0x60, s31  }
0x15e: {  	[hbm4b:s8+s3] =	stream.linear.scatter [tilespmem:s1], [sflag:$0x3], $0x80, $0x38;
	[tilespmem:$0x18600] =	vst v63  }
0x15f: {  	s31 =	sadd.s32 $0x4000, s31;
	s8 =	sadd.s32 $0x11338, s6;
	s1 =	smov.u32 s17  }
0x160: {  	[hbm4b:s13+s3] =	stream.linear.scatter [tilespmem:s8], [sflag:$0x3], $0x80, $0x38;
	[tilespmem:$0x18600] =	vst v63  }
0x161: {  	s1 =	sadd.s32 $0x10500, s0  }
0x162: {  	[hbm4b:s31+s3] =	stream.linear.scatter [tilespmem:s1], [sflag:$0x3], $0x80, $0x38;
	[tilespmem:$0x18600] =	vst v63  }
0x163: {  	s17 =	sadd.s32 $0x10708, s0;
	s6 =	sadd.s32 $0x10, s31  }
0x164: {  	[hbm4b:s6+s3] =	stream.linear.scatter [tilespmem:s17], [sflag:$0x3], $0x80, $0x38;
	[tilespmem:$0x18600] =	vst v63  }
0x165: {  	s8 =	sadd.s32 $0x20, s31;
	s6 =	sadd.s32 $0x10910, s0  }
0x166: {  	[hbm4b:s8+s3] =	stream.linear.scatter [tilespmem:s6], [sflag:$0x3], $0x80, $0x38;
	[tilespmem:$0x18600] =	vst v63  }
0x167: {  	s13 =	sadd.s32 $0x10B18, s0;
	s17 =	sadd.s32 $0x30, s31  }
0x168: {  	[hbm4b:s17+s3] =	stream.linear.scatter [tilespmem:s13], [sflag:$0x3], $0x80, $0x38;
	[tilespmem:$0x18600] =	vst v63  }
0x169: {  	s6 =	sadd.s32 $0x10D20, s0;
	s8 =	sadd.s32 $0x40, s31  }
0x16a: {  	[hbm4b:s8+s3] =	stream.linear.scatter [tilespmem:s6], [sflag:$0x3], $0x80, $0x38;
	[tilespmem:$0x18600] =	vst v63  }
0x16b: {  	s13 =	sadd.s32 $0x10F28, s0;
	s17 =	sadd.s32 $0x50, s31;
	s6 =	sadd.s32 $0x11130, s0  }
0x16c: {  	[hbm4b:s17+s3] =	stream.linear.scatter [tilespmem:s13], [sflag:$0x3], $0x80, $0x38;
	[tilespmem:$0x18600] =	vst v63  }
0x16d: {  	s8 =	sadd.s32 $0x60, s31;
	s17 =	sadd.s32 $0x70, s31;
	s31 =	sor.u32 s12, s30  }
0x16e: {  	[hbm4b:s8+s3] =	stream.linear.scatter [tilespmem:s6], [sflag:$0x3], $0x80, $0x38;
	[tilespmem:$0x18600] =	vst v63  }
0x16f: {  	s13 =	sadd.s32 $0x11338, s0;
	s0 =	sshrl.u32 s31, $0x3  }
0x170: {  	[hbm4b:s17+s3] =	stream.linear.scatter [tilespmem:s13], [sflag:$0x3], $0x80, $0x38;
	[tilespmem:$0x18600] =	vst v63  }
0x171: {  	s1 =	simm.s32 $0x10580;
	s6 =	sadd.s32 s2, s0  }
0x172: {  	[hbm4b:s6+s3] =	stream.linear.scatter [tilespmem:s1], [sflag:$0x3], $0x80, $0x38;
	[tilespmem:$0x18600] =	vst v63  }
0x173: {  	s8 =	simm.s32 $0x10788;
	s13 =	sadd.s32 $0x10, s6  }
0x174: {  	[hbm4b:s13+s3] =	stream.linear.scatter [tilespmem:s8], [sflag:$0x3], $0x80, $0x38;
	[tilespmem:$0x18600] =	vst v63  }
0x175: {  	s0 =	simm.s32 $0x1040;
	s31 =	sadd.s32 $0x20, s6;
	s17 =	simm.s32 $0x10990  }
0x176: {  	[hbm4b:s31+s3] =	stream.linear.scatter [tilespmem:s17], [sflag:$0x3], $0x80, $0x38;
	[tilespmem:$0x18600] =	vst v63  }
0x177: {  	s30 =	sadd.s32 $0x4000, s6;
	s8 =	simm.s32 $0x10B98;
	s13 =	sadd.s32 $0x30, s6  }
0x178: {  	[hbm4b:s13+s3] =	stream.linear.scatter [tilespmem:s8], [sflag:$0x3], $0x80, $0x38;
	[tilespmem:$0x18600] =	vst v63  }
0x179: {  	s1 =	simm.s32 $0x8200;
	s17 =	simm.s32 $0x10DA0;
	s31 =	sadd.s32 $0x40, s6  }
0x17a: {  	[hbm4b:s31+s3] =	stream.linear.scatter [tilespmem:s17], [sflag:$0x3], $0x80, $0x38;
	[tilespmem:$0x18600] =	vst v63  }
0x17b: {  	s8 =	simm.s32 $0x10FA8;
	s13 =	sadd.s32 $0x50, s6;
	s17 =	simm.s32 $0x111B0  }
0x17c: {  	[hbm4b:s13+s3] =	stream.linear.scatter [tilespmem:s8], [sflag:$0x3], $0x80, $0x38;
	[tilespmem:$0x18600] =	vst v63  }
0x17d: {  	s31 =	sadd.s32 $0x60, s6;
	s8 =	simm.s32 $0x113B8;
	s13 =	sadd.s32 $0x70, s6  }
0x17e: {  	[hbm4b:s31+s3] =	stream.linear.scatter [tilespmem:s17], [sflag:$0x3], $0x80, $0x38;
	[tilespmem:$0x18600] =	vst v63  }
.LBB2_17:
0x17f: {  	[hbm4b:s13+s3] =	stream.linear.scatter [tilespmem:s8], [sflag:$0x3], $0x80, $0x38;
	[tilespmem:$0x18600] =	vst v63  }
0x180: {  	s6 =	smov.u32 s0;
	s0 =	smov.u32 s1  }
0x181: {  	s17 =	sadd.s32 $0x4100, s1;
	s0 =	sshra.s32 s0, $0x2;
	s8 =	sadd.s32 $0x10580, s6  }
0x182: {  	[hbm4b:s30+s3] =	stream.linear.scatter [tilespmem:s8], [sflag:$0x3], $0x80, $0x38;
	[tilespmem:$0x18600] =	vst v63  }
0x183: {  	p1 =	sne.s32 s1, $0x1C700;
	s1 =	sadd.s32 $0x10788, s6;
	s8 =	sadd.s32 $0x10, s30  }
0x184: {  	[hbm4b:s8+s3] =	stream.linear.scatter [tilespmem:s1], [sflag:$0x3], $0x80, $0x38;
	[tilespmem:$0x18600] =	vst v63  }
0x185: {  	s1 =	sadd.s32 $0x10990, s6;
	s8 =	sadd.s32 $0x20, s30  }
0x186: {  	[hbm4b:s8+s3] =	stream.linear.scatter [tilespmem:s1], [sflag:$0x3], $0x80, $0x38;
	[tilespmem:$0x18600] =	vst v63  }
0x187: {  	s1 =	sadd.s32 $0x10B98, s6;
	s8 =	sadd.s32 $0x30, s30  }
0x188: {  	[hbm4b:s8+s3] =	stream.linear.scatter [tilespmem:s1], [sflag:$0x3], $0x80, $0x38;
	[tilespmem:$0x18600] =	vst v63  }
0x189: {  	s1 =	sadd.s32 $0x10DA0, s6;
	s8 =	sadd.s32 $0x40, s30  }
0x18a: {  	[hbm4b:s8+s3] =	stream.linear.scatter [tilespmem:s1], [sflag:$0x3], $0x80, $0x38;
	[tilespmem:$0x18600] =	vst v63  }
.Ltmp9:
0x18b: {  	s1 =	sadd.s32 $0x10FA8, s6;
	s8 =	sadd.s32 $0x50, s30;
	(pc) =	sbr.rel @p1 .LBB2_17-.Ltmp9, $4  }
0x18c: {  	[hbm4b:s8+s3] =	stream.linear.scatter [tilespmem:s1], [sflag:$0x3], $0x80, $0x38;
	[tilespmem:$0x18600] =	vst v63  }
0x18d: {  	s13 =	sadd.s32 $0x70, s30;
	s1 =	sadd.s32 $0x111B0, s6;
	s8 =	sadd.s32 $0x60, s30  }
0x18e: {  	[hbm4b:s8+s3] =	stream.linear.scatter [tilespmem:s1], [sflag:$0x3], $0x80, $0x38;
	[tilespmem:$0x18600] =	vst v63  }
0x18f: {  	s30 =	sadd.s32 $0x4000, s30;
	s8 =	sadd.s32 $0x113B8, s6;
	s1 =	smov.u32 s17  }
0x190: {  	[hbm4b:s13+s3] =	stream.linear.scatter [tilespmem:s8], [sflag:$0x3], $0x80, $0x38;
	[tilespmem:$0x18600] =	vst v63  }
0x191: {  	s1 =	sadd.s32 $0x10580, s0  }
0x192: {  	[hbm4b:s30+s3] =	stream.linear.scatter [tilespmem:s1], [sflag:$0x3], $0x80, $0x38;
	[tilespmem:$0x18600] =	vst v63  }
0x193: {  	s31 =	sadd.s32 $0x10788, s0;
	s6 =	sadd.s32 $0x10, s30  }
0x194: {  	[hbm4b:s6+s3] =	stream.linear.scatter [tilespmem:s31], [sflag:$0x3], $0x80, $0x38;
	[tilespmem:$0x18600] =	vst v63  }
0x195: {  	s8 =	sadd.s32 $0x10990, s0;
	s13 =	sadd.s32 $0x20, s30  }
0x196: {  	[hbm4b:s13+s3] =	stream.linear.scatter [tilespmem:s8], [sflag:$0x3], $0x80, $0x38;
	[tilespmem:$0x18600] =	vst v63  }
0x197: {  	s17 =	sadd.s32 $0x10B98, s0;
	s31 =	sadd.s32 $0x30, s30  }
0x198: {  	[hbm4b:s31+s3] =	stream.linear.scatter [tilespmem:s17], [sflag:$0x3], $0x80, $0x38;
	[tilespmem:$0x18600] =	vst v63  }
0x199: {  	s14 =	sadd.s32 $0x1, s14;
	s8 =	sadd.s32 $0x10DA0, s0;
	s13 =	sadd.s32 $0x40, s30  }
0x19a: {  	[hbm4b:s13+s3] =	stream.linear.scatter [tilespmem:s8], [sflag:$0x3], $0x80, $0x38;
	[tilespmem:$0x18600] =	vst v63  }
0x19b: {  	p1 =	sne.s32 s14, $0xC8;
	s17 =	sadd.s32 $0x10FA8, s0;
	s31 =	sadd.s32 $0x50, s30  }
0x19c: {  	[hbm4b:s31+s3] =	stream.linear.scatter [tilespmem:s17], [sflag:$0x3], $0x80, $0x38;
	[tilespmem:$0x18600] =	vst v63  }
.Ltmp10:
0x19d: {  	_ = 	snop;
	(pc) =	sbr.rel @p1 .LBB2_2-.Ltmp10, $4  }
0x19e: {  	s8 =	sadd.s32 $0x111B0, s0;
	s13 =	sadd.s32 $0x60, s30  }
0x19f: {  	[hbm4b:s13+s3] =	stream.linear.scatter [tilespmem:s8], [sflag:$0x3], $0x80, $0x38;
	[tilespmem:$0x18600] =	vst v63  }
0x1a0: {  	p0 =	por !p0, !p0;
	s17 =	sadd.s32 $0x113B8, s0;
	s31 =	sadd.s32 $0x70, s30  }
0x1a1: {  	[hbm4b:s31+s3] =	stream.linear.scatter [tilespmem:s17], [sflag:$0x3], $0x80, $0x38;
	[tilespmem:$0x18600] =	vst v63  }
0x1a2: {  	_ =	swait.ge [sflag:s23], $0x8000  }
0x1a3: {  	[sflag:s23] =	ssyncset.done $0x0  }
0x1a4: {  	[sflag:s23] =	ssyncadd.s32 $0xFFFF8000  }
0x1a5: {  	_ =	swait.ge [sflag:s29], $0x200  }
0x1a6: {  	[sflag:s29] =	ssyncset.done $0x0  }
0x1a7: {  	[sflag:s29] =	ssyncadd.s32 $0xFFFFFE00  }
0x1a8: {  	_ =	swait.ge [sflag:s26], $0x2000  }
0x1a9: {  	[sflag:s26] =	ssyncset.done $0x0  }
0x1aa: {  	[sflag:s26] =	ssyncadd.s32 $0xFFFFE000  }
0x1ab: {  	_ =	swait.ge [sflag:s26], $0x2000  }
0x1ac: {  	[sflag:s26] =	ssyncset.done $0x0  }
0x1ad: {  	[sflag:s26] =	ssyncadd.s32 $0xFFFFE000  }
0x1ae: {  	_ =	swait.ge [sflag:s26], $0x2000  }
0x1af: {  	[sflag:s26] =	ssyncset.done $0x0  }
0x1b0: {  	[sflag:s26] =	ssyncadd.s32 $0xFFFFE000  }
0x1b1: {  	_ =	swait.ge [sflag:s26], $0x2000  }
0x1b2: {  	s1 =	rddreg [dreg:$0x6]  }
0x1b3: {  	s0 =	rddreg [dreg:$0x5];
	s1 =	sadd.s32 $0x1, s1  }
0x1b4: {  	p0 =	sne.s32 s1, s0  }
.Ltmp11:
0x1b5: {  	_ = 	snop;
	(pc) =	sbr.rel @p0 .LBB2_1-.Ltmp11, $3  }
0x1b6: {  	_ =	sdelay $0x1  }
0x1b7: {  	[sflag:s26] =	ssyncset.done $0x0  }
0x1b8: {  	[sflag:s26] =	ssyncadd.s32 $0xFFFFE000  }
0x1b9: {  	_ =	sfence.sel $0x180000  }
0x1ba: {  	[bflag:$0x0] =	sbarrier.arrive $0xFFFF  }
0x1bb: {  	_ =	strace $0x90000047  }
0x1bc: {  	s0 =	stileid.u32;
	[bflag:$0x2] =	sbarrier.arrive $0xFFFF  }
0x1bd: {  	p0 =	sne.s32 s0, $0x0;
	s0 =	rddreg [dreg:$0x2]  }
0x1be: {  	s0 =	sadd.s32 @!p0 $0x100000, s0  }
0x1bf: {  	[sflag:s0] =	ssyncadd.tile.s32 @!p0 $0x1;
	_ =	shalt  }
.Lfunc_end2:
_tile_overlayer_lowered:
.L_overlay_start_2:
0x1c0: {  	(tag) =	ssettag $0x2  }
0x1c1: {  	s0 =	rddreg [dreg:$0x0];
	s2 =	stileid.u32  }
0x1c2: {  	s1 =	rddreg [dreg:$0x1];
	p0 =	sne.s32 s2, $0x0  }
0x1c3: {  	s3 =	rddreg [dreg:$0x2];
	[bflag:$0x3] =	sbarrier.arrive $0xFFFF;
	s2 =	simm.s32 @!p0 $0x1C06  }
0x1c4: {  	[timem:s3], [sflag:s2] =	dma.local @!p0 [hbm:s0], s1  }
0x1c5: {  	s0 =	simm.s32 @!p0 $0x6  }
0x1c6: {  	_ =	swait.ge @!p0 [sflag:s0], s1  }
0x1c7: {  	s1 =	ssub.s32 @!p0 $0x0, s1;
	[sflag:s0] =	ssyncset.done @!p0 $0x0  }
0x1c8: {  	[sflag:s0] =	ssyncadd.s32 @!p0 s1  }
0x1c9: {  	[bflag:$0x3] =	sbarrier.arrive $0xFFFF  }
0x1ca: {  	_ =	shalt  }

</sc_bundles>
